<compile_context>
chip_gen: v7x
topology: tpu7x:2x2x1
jax: 0.10.2.dev20260603
libtpu: 0.0.44.dev20260713+nightly
codegen_flags: <defaults>
</compile_context>

<pallas_src>
import jax
import jax.numpy as jnp
from jax.experimental import pallas as pl
from jax.experimental.pallas import tpu as pltpu

NT = 26
D = 64
NPAIR = 351
NPAD = 352


def _off(i):
    return i * (i - 1) // 2


def _tc_body(dx_ref, ly_ref, bw0_r, bb0_r, bw1_r, bb1_r, bw2_r, bb2_r,
             ta_r, tw_r, tb0_r, tw1_r, tb1_r, tw2_r, tb2_r, out_ref,
             lyt_ref, zt_ref):
    f32 = jnp.float32
    S = dx_ref.shape[0]
    x = dx_ref[...]
    x = jnp.maximum(jnp.dot(x, bw0_r[...], preferred_element_type=f32)
                    + bb0_r[...], 0.0)
    x = jnp.maximum(jnp.dot(x, bw1_r[...], preferred_element_type=f32)
                    + bb1_r[...], 0.0)
    x = jnp.maximum(jnp.dot(x, bw2_r[...], preferred_element_type=f32)
                    + bb2_r[...], 0.0)

    xt = jnp.swapaxes(x, 0, 1)
    for t in range(NT):
        lyt_ref[t] = jnp.swapaxes(ly_ref[t], 0, 1)

    lyt = lyt_ref[...]
    zx = jnp.sum(lyt * xt[None], axis=1)
    for i in range(1, NT + 1):
        zt_ref[_off(i)] = zx[i - 1]
    for i in range(2, NT + 1):
        p = lyt_ref[0:i - 1] * lyt_ref[i - 1][None]
        zt_ref[_off(i) + 1:_off(i) + i] = jnp.sum(p, axis=1)
    zt_ref[NPAIR] = jnp.zeros((S,), f32)

    hint = jax.lax.dot_general(zt_ref[...], tw_r[...],
                               (((0,), (0,)), ((), ())),
                               preferred_element_type=f32)
    h = jnp.maximum(jnp.dot(x, ta_r[...], preferred_element_type=f32)
                    + hint + tb0_r[...], 0.0)
    h = jnp.maximum(jnp.dot(h, tw1_r[...], preferred_element_type=f32)
                    + tb1_r[...], 0.0)
    z = jnp.dot(h, tw2_r[...], preferred_element_type=f32) + tb2_r[...]
    out_ref[...] = jax.nn.sigmoid(z)


def kernel(dense_x, lS_i, emb, bw0, bb0, bw1, bb1, bw2, bb2,
           tw0, tb0, tw1, tb1, tw2, tb2):
    B = dense_x.shape[0]
    f32 = jnp.float32

    ly = jax.vmap(lambda table, i: jnp.take(table, i, axis=0))(emb, lS_i)

    dx_pad = jnp.pad(dense_x, ((0, 0), (0, 3)))
    bw0t = jnp.pad(bw0.T, ((0, 3), (0, 0)))
    tw0t = tw0.T
    ta = tw0t[:D]
    tw_pairs = jnp.pad(tw0t[D:], ((0, NPAD - NPAIR), (0, 0)))
    w_list = [bw0t, bb0.reshape(1, -1), bw1.T, bb1.reshape(1, -1),
              bw2.T, bb2.reshape(1, -1), ta, tw_pairs, tb0.reshape(1, -1),
              tw1.T, tb1.reshape(1, -1), tw2.T, tb2.reshape(1, -1)]

    S = 256
    grid = (B // S,)
    wspec = [pl.BlockSpec(w.shape, lambda i, _n=w.ndim: (0,) * _n)
             for w in w_list]

    p = pl.pallas_call(
        _tc_body,
        grid=grid,
        in_specs=[pl.BlockSpec((S, 16), lambda i: (i, 0)),
                  pl.BlockSpec((NT, S, D), lambda i: (0, i, 0))] + wspec,
        out_specs=pl.BlockSpec((S, 1), lambda i: (i, 0)),
        out_shape=jax.ShapeDtypeStruct((B, 1), f32),
        scratch_shapes=[pltpu.VMEM((NT, D, S), f32),
                        pltpu.VMEM((NPAD, S), f32)],
    )(dx_pad, ly, *w_list)
    return p

# --- scband reference (transcript-rebuilt; emitter-appended) ---
"""Pipeline reference for scband-dlrm-net-67499706023937 (READ-ONLY COPY).

The authoritative reference and input builder live on the scoring server;
editing this copy changes nothing except your own understanding.
"""

import jax, jax.numpy as jnp
import numpy as np

_NI = 27  # 1 dense feature vector + 26 sparse embeddings
_LI = np.array([i for i in range(_NI) for j in range(i)], dtype=np.int32)
_LJ = np.array([j for i in range(_NI) for j in range(i)], dtype=np.int32)


def _lin(k, n, m):
    std = np.sqrt(2.0 / (m + n))
    w = (jax.random.normal(k, (m, n), dtype=jnp.float32) * std).astype(jnp.float32)
    b = (jax.random.normal(jax.random.fold_in(k, 1), (m,), dtype=jnp.float32) * np.sqrt(1.0 / m)).astype(jnp.float32)
    return w, b


def setup_inputs(seed: int = 0) -> dict:
    key = jax.random.key(seed)
    ks = jax.random.split(key, 16)
    B, NT, V, D = 4096, 26, 100000, 64
    dense_x = jax.random.normal(ks[0], (B, 13), dtype=jnp.float32)
    lS_i = jax.random.randint(ks[1], (NT, B), 0, V)
    bound = np.sqrt(1.0 / V)
    emb = jax.random.uniform(ks[2], (NT, V, D), dtype=jnp.float32, minval=-bound, maxval=bound)
    bw0, bb0 = _lin(ks[3], 13, 512)
    bw1, bb1 = _lin(ks[4], 512, 256)
    bw2, bb2 = _lin(ks[5], 256, 64)
    tw0, tb0 = _lin(ks[6], 415, 512)
    tw1, tb1 = _lin(ks[7], 512, 256)
    tw2, tb2 = _lin(ks[8], 256, 1)
    return {"dense_x": dense_x, "lS_i": lS_i, "emb": emb,
            "bw0": bw0, "bb0": bb0, "bw1": bw1, "bb1": bb1, "bw2": bw2, "bb2": bb2,
            "tw0": tw0, "tb0": tb0, "tw1": tw1, "tb1": tb1, "tw2": tw2, "tb2": tb2}


def reference(dense_x, lS_i, emb, bw0, bb0, bw1, bb1, bw2, bb2, tw0, tb0, tw1, tb1, tw2, tb2):
    # bottom MLP (apply_mlp)
    x = jax.nn.relu(dense_x @ bw0.T + bb0)
    x = jax.nn.relu(x @ bw1.T + bb1)
    x = jax.nn.relu(x @ bw2.T + bb2)
    # embedding lookups (apply_emb): sum-mode EmbeddingBag with 1 index/bag == gather
    ly = jax.vmap(lambda table, idx: jnp.take(table, idx, axis=0))(emb, lS_i)  # [26, B, D]
    # interact_features, arch_interaction_op == 'dot', itself == False
    T = jnp.concatenate([x[:, None, :], jnp.transpose(ly, (1, 0, 2))], axis=1)  # [B, 27, D]
    Z = jnp.einsum('bnd,bmd->bnm', T, T)
    Zflat = Z[:, _LI, _LJ]  # [B, 351]
    R = jnp.concatenate([x, Zflat], axis=1)  # [B, 415]
    # top MLP, sigmoid on last layer (sigmoid_top == 2)
    z = jax.nn.relu(R @ tw0.T + tb0)
    z = jax.nn.relu(z @ tw1.T + tb1)
    p = jax.nn.sigmoid(z @ tw2.T + tb2)
    return p

if __name__ == "__main__":
    import jax
    _d = setup_inputs()
    print(jax.jit(kernel)(*tuple(_d.values())))

</pallas_src>

<mosaic_0001>
module attributes {stable_mosaic.version = 14 : i64} {
  func.func @_tc_body(%arg0: i32, %arg1: memref<256x16xf32, #tpu.memory_space<vmem>>, %arg2: memref<26x256x64xf32, #tpu.memory_space<vmem>>, %arg3: memref<16x512xf32, #tpu.memory_space<vmem>>, %arg4: memref<1x512xf32, #tpu.memory_space<vmem>>, %arg5: memref<512x256xf32, #tpu.memory_space<vmem>>, %arg6: memref<1x256xf32, #tpu.memory_space<vmem>>, %arg7: memref<256x64xf32, #tpu.memory_space<vmem>>, %arg8: memref<1x64xf32, #tpu.memory_space<vmem>>, %arg9: memref<64x512xf32, #tpu.memory_space<vmem>>, %arg10: memref<352x512xf32, #tpu.memory_space<vmem>>, %arg11: memref<1x512xf32, #tpu.memory_space<vmem>>, %arg12: memref<512x256xf32, #tpu.memory_space<vmem>>, %arg13: memref<1x256xf32, #tpu.memory_space<vmem>>, %arg14: memref<256x1xf32, #tpu.memory_space<vmem>>, %arg15: memref<1x1xf32, #tpu.memory_space<vmem>>, %arg16: memref<256x1xf32, #tpu.memory_space<vmem>>, %arg17: memref<26x64x256xf32, #tpu.memory_space<vmem>>, %arg18: memref<352x256xf32, #tpu.memory_space<vmem>>) attributes {dimension_semantics = [#tpu.dimension_semantics<arbitrary>], iteration_bounds = array<i64: 16>, scalar_prefetch = 0 : i64, scratch_operands = 2 : i64, tpu.core_type = #tpu.core_type<tc>, window_params = [{transform_indices = @transform_0, window_bounds = array<i64: 256, 16>}, {transform_indices = @transform_1, window_bounds = array<i64: 26, 256, 64>}, {pipeline_mode = #tpu.pipeline_mode<synchronous>, transform_indices = @transform_2, window_bounds = array<i64: 16, 512>}, {pipeline_mode = #tpu.pipeline_mode<synchronous>, transform_indices = @transform_3, window_bounds = array<i64: 1, 512>}, {pipeline_mode = #tpu.pipeline_mode<synchronous>, transform_indices = @transform_4, window_bounds = array<i64: 512, 256>}, {pipeline_mode = #tpu.pipeline_mode<synchronous>, transform_indices = @transform_5, window_bounds = array<i64: 1, 256>}, {pipeline_mode = #tpu.pipeline_mode<synchronous>, transform_indices = @transform_6, window_bounds = array<i64: 256, 64>}, {pipeline_mode = #tpu.pipeline_mode<synchronous>, transform_indices = @transform_7, window_bounds = array<i64: 1, 64>}, {pipeline_mode = #tpu.pipeline_mode<synchronous>, transform_indices = @transform_8, window_bounds = array<i64: 64, 512>}, {pipeline_mode = #tpu.pipeline_mode<synchronous>, transform_indices = @transform_9, window_bounds = array<i64: 352, 512>}, {pipeline_mode = #tpu.pipeline_mode<synchronous>, transform_indices = @transform_10, window_bounds = array<i64: 1, 512>}, {pipeline_mode = #tpu.pipeline_mode<synchronous>, transform_indices = @transform_11, window_bounds = array<i64: 512, 256>}, {pipeline_mode = #tpu.pipeline_mode<synchronous>, transform_indices = @transform_12, window_bounds = array<i64: 1, 256>}, {pipeline_mode = #tpu.pipeline_mode<synchronous>, transform_indices = @transform_13, window_bounds = array<i64: 256, 1>}, {pipeline_mode = #tpu.pipeline_mode<synchronous>, transform_indices = @transform_14, window_bounds = array<i64: 1, 1>}, {transform_indices = @transform_15, window_bounds = array<i64: 256, 1>}]} {
    %get3A = arith.constant 0 : index
    %get3A_0 = arith.constant 0 : index
    %get3A_1 = vector.load %arg1[%get3A, %get3A_0] : memref<256x16xf32, #tpu.memory_space<vmem>>, vector<256x16xf32>
    %get3A_2 = arith.constant 0 : index
    %get3A_3 = arith.constant 0 : index
    %get3A_4 = vector.load %arg3[%get3A_2, %get3A_3] : memref<16x512xf32, #tpu.memory_space<vmem>>, vector<16x512xf32>
    %dot_general3A = arith.constant dense<0.000000e+00> : vector<256x512xf32>
    %dot_general3A_5 = tpu.matmul %get3A_1, %get3A_4, %dot_general3A {dimension_numbers = #tpu.dot_dimension_numbers<[1], [0], [0], [1], [0, 0, 1, 1], [], []>, transpose_lhs_hint = false} : vector<256x16xf32>, vector<16x512xf32>, vector<256x512xf32> -> vector<256x512xf32>
    %get3A_6 = arith.constant 0 : index
    %get3A_7 = arith.constant 0 : index
    %get3A_8 = vector.load %arg4[%get3A_6, %get3A_7] : memref<1x512xf32, #tpu.memory_space<vmem>>, vector<1x512xf32>
    %add3A = vector.broadcast %get3A_8 : vector<1x512xf32> to vector<256x512xf32>
    %add3A_9 = arith.addf %dot_general3A_5, %add3A : vector<256x512xf32>
    %max3A = arith.constant 0.000000e+00 : f32
    %max3A_10 = vector.broadcast %max3A : f32 to vector<256x512xf32>
    %max3A_11 = arith.maximumf %add3A_9, %max3A_10 : vector<256x512xf32>
    %get3A_12 = arith.constant 0 : index
    %get3A_13 = arith.constant 0 : index
    %get3A_14 = vector.load %arg5[%get3A_12, %get3A_13] : memref<512x256xf32, #tpu.memory_space<vmem>>, vector<512x256xf32>
    %dot_general3A_15 = arith.constant dense<0.000000e+00> : vector<256x256xf32>
    %dot_general3A_16 = tpu.matmul %max3A_11, %get3A_14, %dot_general3A_15 {dimension_numbers = #tpu.dot_dimension_numbers<[1], [0], [0], [1], [0, 0, 1, 1], [], []>, transpose_lhs_hint = false} : vector<256x512xf32>, vector<512x256xf32>, vector<256x256xf32> -> vector<256x256xf32>
    %get3A_17 = arith.constant 0 : index
    %get3A_18 = arith.constant 0 : index
    %get3A_19 = vector.load %arg6[%get3A_17, %get3A_18] : memref<1x256xf32, #tpu.memory_space<vmem>>, vector<1x256xf32>
    %add3A_20 = vector.broadcast %get3A_19 : vector<1x256xf32> to vector<256x256xf32>
    %add3A_21 = arith.addf %dot_general3A_16, %add3A_20 : vector<256x256xf32>
    %max3A_22 = arith.constant 0.000000e+00 : f32
    %max3A_23 = vector.broadcast %max3A_22 : f32 to vector<256x256xf32>
    %max3A_24 = arith.maximumf %add3A_21, %max3A_23 : vector<256x256xf32>
    %get3A_25 = arith.constant 0 : index
    %get3A_26 = arith.constant 0 : index
    %get3A_27 = vector.load %arg7[%get3A_25, %get3A_26] : memref<256x64xf32, #tpu.memory_space<vmem>>, vector<256x64xf32>
    %dot_general3A_28 = arith.constant dense<0.000000e+00> : vector<256x64xf32>
    %dot_general3A_29 = tpu.matmul %max3A_24, %get3A_27, %dot_general3A_28 {dimension_numbers = #tpu.dot_dimension_numbers<[1], [0], [0], [1], [0, 0, 1, 1], [], []>, transpose_lhs_hint = false} : vector<256x256xf32>, vector<256x64xf32>, vector<256x64xf32> -> vector<256x64xf32>
    %get3A_30 = arith.constant 0 : index
    %get3A_31 = arith.constant 0 : index
    %get3A_32 = vector.load %arg8[%get3A_30, %get3A_31] : memref<1x64xf32, #tpu.memory_space<vmem>>, vector<1x64xf32>
    %add3A_33 = vector.broadcast %get3A_32 : vector<1x64xf32> to vector<256x64xf32>
    %add3A_34 = arith.addf %dot_general3A_29, %add3A_33 : vector<256x64xf32>
    %max3A_35 = arith.constant 0.000000e+00 : f32
    %max3A_36 = vector.broadcast %max3A_35 : f32 to vector<256x64xf32>
    %max3A_37 = arith.maximumf %add3A_34, %max3A_36 : vector<256x64xf32>
    %transpose3A = tpu.transpose %max3A_37, [1, 0] : vector<256x64xf32> -> vector<64x256xf32>
    %get3A_38 = arith.constant 0 : index
    %get3A_39 = arith.constant 0 : index
    %get3A_40 = arith.constant 0 : index
    %get3A_41 = vector.load %arg2[%get3A_38, %get3A_39, %get3A_40] : memref<26x256x64xf32, #tpu.memory_space<vmem>>, vector<1x256x64xf32>
    %get3A_42 = vector.shape_cast %get3A_41 : vector<1x256x64xf32> to vector<256x64xf32>
    %transpose3A_43 = tpu.transpose %get3A_42, [1, 0] : vector<256x64xf32> -> vector<64x256xf32>
    %swap3A = arith.constant 0 : index
    %swap3A_44 = arith.constant 0 : index
    %swap3A_45 = arith.constant 0 : index
    %swap3A_46 = vector.load %arg17[%swap3A, %swap3A_44, %swap3A_45] : memref<26x64x256xf32, #tpu.memory_space<vmem>>, vector<1x64x256xf32>
    %swap3A_47 = vector.shape_cast %swap3A_46 : vector<1x64x256xf32> to vector<64x256xf32>
    %swap3A_48 = vector.shape_cast %transpose3A_43 : vector<64x256xf32> to vector<1x64x256xf32>
    tpu.vector_store %arg17[%swap3A, %swap3A_44, %swap3A_45], %swap3A_48 {strides = array<i32>} : memref<26x64x256xf32, #tpu.memory_space<vmem>>, vector<1x64x256xf32>,
    %get3A_49 = arith.constant 1 : index
    %get3A_50 = arith.constant 0 : index
    %get3A_51 = arith.constant 0 : index
    %get3A_52 = vector.load %arg2[%get3A_49, %get3A_50, %get3A_51] : memref<26x256x64xf32, #tpu.memory_space<vmem>>, vector<1x256x64xf32>
    %get3A_53 = vector.shape_cast %get3A_52 : vector<1x256x64xf32> to vector<256x64xf32>
    %transpose3A_54 = tpu.transpose %get3A_53, [1, 0] : vector<256x64xf32> -> vector<64x256xf32>
    %swap3A_55 = arith.constant 1 : index
    %swap3A_56 = arith.constant 0 : index
    %swap3A_57 = arith.constant 0 : index
    %swap3A_58 = vector.load %arg17[%swap3A_55, %swap3A_56, %swap3A_57] : memref<26x64x256xf32, #tpu.memory_space<vmem>>, vector<1x64x256xf32>
    %swap3A_59 = vector.shape_cast %swap3A_58 : vector<1x64x256xf32> to vector<64x256xf32>
    %swap3A_60 = vector.shape_cast %transpose3A_54 : vector<64x256xf32> to vector<1x64x256xf32>
    tpu.vector_store %arg17[%swap3A_55, %swap3A_56, %swap3A_57], %swap3A_60 {strides = array<i32>} : memref<26x64x256xf32, #tpu.memory_space<vmem>>, vector<1x64x256xf32>,
    %get3A_61 = arith.constant 2 : index
    %get3A_62 = arith.constant 0 : index
    %get3A_63 = arith.constant 0 : index
    %get3A_64 = vector.load %arg2[%get3A_61, %get3A_62, %get3A_63] : memref<26x256x64xf32, #tpu.memory_space<vmem>>, vector<1x256x64xf32>
    %get3A_65 = vector.shape_cast %get3A_64 : vector<1x256x64xf32> to vector<256x64xf32>
    %transpose3A_66 = tpu.transpose %get3A_65, [1, 0] : vector<256x64xf32> -> vector<64x256xf32>
    %swap3A_67 = arith.constant 2 : index
    %swap3A_68 = arith.constant 0 : index
    %swap3A_69 = arith.constant 0 : index
    %swap3A_70 = vector.load %arg17[%swap3A_67, %swap3A_68, %swap3A_69] : memref<26x64x256xf32, #tpu.memory_space<vmem>>, vector<1x64x256xf32>
    %swap3A_71 = vector.shape_cast %swap3A_70 : vector<1x64x256xf32> to vector<64x256xf32>
    %swap3A_72 = vector.shape_cast %transpose3A_66 : vector<64x256xf32> to vector<1x64x256xf32>
    tpu.vector_store %arg17[%swap3A_67, %swap3A_68, %swap3A_69], %swap3A_72 {strides = array<i32>} : memref<26x64x256xf32, #tpu.memory_space<vmem>>, vector<1x64x256xf32>,
    %get3A_73 = arith.constant 3 : index
    %get3A_74 = arith.constant 0 : index
    %get3A_75 = arith.constant 0 : index
    %get3A_76 = vector.load %arg2[%get3A_73, %get3A_74, %get3A_75] : memref<26x256x64xf32, #tpu.memory_space<vmem>>, vector<1x256x64xf32>
    %get3A_77 = vector.shape_cast %get3A_76 : vector<1x256x64xf32> to vector<256x64xf32>
    %transpose3A_78 = tpu.transpose %get3A_77, [1, 0] : vector<256x64xf32> -> vector<64x256xf32>
    %swap3A_79 = arith.constant 3 : index
    %swap3A_80 = arith.constant 0 : index
    %swap3A_81 = arith.constant 0 : index
    %swap3A_82 = vector.load %arg17[%swap3A_79, %swap3A_80, %swap3A_81] : memref<26x64x256xf32, #tpu.memory_space<vmem>>, vector<1x64x256xf32>
    %swap3A_83 = vector.shape_cast %swap3A_82 : vector<1x64x256xf32> to vector<64x256xf32>
    %swap3A_84 = vector.shape_cast %transpose3A_78 : vector<64x256xf32> to vector<1x64x256xf32>
    tpu.vector_store %arg17[%swap3A_79, %swap3A_80, %swap3A_81], %swap3A_84 {strides = array<i32>} : memref<26x64x256xf32, #tpu.memory_space<vmem>>, vector<1x64x256xf32>,
    %get3A_85 = arith.constant 4 : index
    %get3A_86 = arith.constant 0 : index
    %get3A_87 = arith.constant 0 : index
    %get3A_88 = vector.load %arg2[%get3A_85, %get3A_86, %get3A_87] : memref<26x256x64xf32, #tpu.memory_space<vmem>>, vector<1x256x64xf32>
    %get3A_89 = vector.shape_cast %get3A_88 : vector<1x256x64xf32> to vector<256x64xf32>
    %transpose3A_90 = tpu.transpose %get3A_89, [1, 0] : vector<256x64xf32> -> vector<64x256xf32>
    %swap3A_91 = arith.constant 4 : index
    %swap3A_92 = arith.constant 0 : index
    %swap3A_93 = arith.constant 0 : index
    %swap3A_94 = vector.load %arg17[%swap3A_91, %swap3A_92, %swap3A_93] : memref<26x64x256xf32, #tpu.memory_space<vmem>>, vector<1x64x256xf32>
    %swap3A_95 = vector.shape_cast %swap3A_94 : vector<1x64x256xf32> to vector<64x256xf32>
    %swap3A_96 = vector.shape_cast %transpose3A_90 : vector<64x256xf32> to vector<1x64x256xf32>
    tpu.vector_store %arg17[%swap3A_91, %swap3A_92, %swap3A_93], %swap3A_96 {strides = array<i32>} : memref<26x64x256xf32, #tpu.memory_space<vmem>>, vector<1x64x256xf32>,
    %get3A_97 = arith.constant 5 : index
    %get3A_98 = arith.constant 0 : index
    %get3A_99 = arith.constant 0 : index
    %get3A_100 = vector.load %arg2[%get3A_97, %get3A_98, %get3A_99] : memref<26x256x64xf32, #tpu.memory_space<vmem>>, vector<1x256x64xf32>
    %get3A_101 = vector.shape_cast %get3A_100 : vector<1x256x64xf32> to vector<256x64xf32>
    %transpose3A_102 = tpu.transpose %get3A_101, [1, 0] : vector<256x64xf32> -> vector<64x256xf32>
    %swap3A_103 = arith.constant 5 : index
    %swap3A_104 = arith.constant 0 : index
    %swap3A_105 = arith.constant 0 : index
    %swap3A_106 = vector.load %arg17[%swap3A_103, %swap3A_104, %swap3A_105] : memref<26x64x256xf32, #tpu.memory_space<vmem>>, vector<1x64x256xf32>
    %swap3A_107 = vector.shape_cast %swap3A_106 : vector<1x64x256xf32> to vector<64x256xf32>
    %swap3A_108 = vector.shape_cast %transpose3A_102 : vector<64x256xf32> to vector<1x64x256xf32>
    tpu.vector_store %arg17[%swap3A_103, %swap3A_104, %swap3A_105], %swap3A_108 {strides = array<i32>} : memref<26x64x256xf32, #tpu.memory_space<vmem>>, vector<1x64x256xf32>,
    %get3A_109 = arith.constant 6 : index
    %get3A_110 = arith.constant 0 : index
    %get3A_111 = arith.constant 0 : index
    %get3A_112 = vector.load %arg2[%get3A_109, %get3A_110, %get3A_111] : memref<26x256x64xf32, #tpu.memory_space<vmem>>, vector<1x256x64xf32>
    %get3A_113 = vector.shape_cast %get3A_112 : vector<1x256x64xf32> to vector<256x64xf32>
    %transpose3A_114 = tpu.transpose %get3A_113, [1, 0] : vector<256x64xf32> -> vector<64x256xf32>
    %swap3A_115 = arith.constant 6 : index
    %swap3A_116 = arith.constant 0 : index
    %swap3A_117 = arith.constant 0 : index
    %swap3A_118 = vector.load %arg17[%swap3A_115, %swap3A_116, %swap3A_117] : memref<26x64x256xf32, #tpu.memory_space<vmem>>, vector<1x64x256xf32>
    %swap3A_119 = vector.shape_cast %swap3A_118 : vector<1x64x256xf32> to vector<64x256xf32>
    %swap3A_120 = vector.shape_cast %transpose3A_114 : vector<64x256xf32> to vector<1x64x256xf32>
    tpu.vector_store %arg17[%swap3A_115, %swap3A_116, %swap3A_117], %swap3A_120 {strides = array<i32>} : memref<26x64x256xf32, #tpu.memory_space<vmem>>, vector<1x64x256xf32>,
    %get3A_121 = arith.constant 7 : index
    %get3A_122 = arith.constant 0 : index
    %get3A_123 = arith.constant 0 : index
    %get3A_124 = vector.load %arg2[%get3A_121, %get3A_122, %get3A_123] : memref<26x256x64xf32, #tpu.memory_space<vmem>>, vector<1x256x64xf32>
    %get3A_125 = vector.shape_cast %get3A_124 : vector<1x256x64xf32> to vector<256x64xf32>
    %transpose3A_126 = tpu.transpose %get3A_125, [1, 0] : vector<256x64xf32> -> vector<64x256xf32>
    %swap3A_127 = arith.constant 7 : index
    %swap3A_128 = arith.constant 0 : index
    %swap3A_129 = arith.constant 0 : index
    %swap3A_130 = vector.load %arg17[%swap3A_127, %swap3A_128, %swap3A_129] : memref<26x64x256xf32, #tpu.memory_space<vmem>>, vector<1x64x256xf32>
    %swap3A_131 = vector.shape_cast %swap3A_130 : vector<1x64x256xf32> to vector<64x256xf32>
    %swap3A_132 = vector.shape_cast %transpose3A_126 : vector<64x256xf32> to vector<1x64x256xf32>
    tpu.vector_store %arg17[%swap3A_127, %swap3A_128, %swap3A_129], %swap3A_132 {strides = array<i32>} : memref<26x64x256xf32, #tpu.memory_space<vmem>>, vector<1x64x256xf32>,
    %get3A_133 = arith.constant 8 : index
    %get3A_134 = arith.constant 0 : index
    %get3A_135 = arith.constant 0 : index
    %get3A_136 = vector.load %arg2[%get3A_133, %get3A_134, %get3A_135] : memref<26x256x64xf32, #tpu.memory_space<vmem>>, vector<1x256x64xf32>
    %get3A_137 = vector.shape_cast %get3A_136 : vector<1x256x64xf32> to vector<256x64xf32>
    %transpose3A_138 = tpu.transpose %get3A_137, [1, 0] : vector<256x64xf32> -> vector<64x256xf32>
    %swap3A_139 = arith.constant 8 : index
    %swap3A_140 = arith.constant 0 : index
    %swap3A_141 = arith.constant 0 : index
    %swap3A_142 = vector.load %arg17[%swap3A_139, %swap3A_140, %swap3A_141] : memref<26x64x256xf32, #tpu.memory_space<vmem>>, vector<1x64x256xf32>
    %swap3A_143 = vector.shape_cast %swap3A_142 : vector<1x64x256xf32> to vector<64x256xf32>
    %swap3A_144 = vector.shape_cast %transpose3A_138 : vector<64x256xf32> to vector<1x64x256xf32>
    tpu.vector_store %arg17[%swap3A_139, %swap3A_140, %swap3A_141], %swap3A_144 {strides = array<i32>} : memref<26x64x256xf32, #tpu.memory_space<vmem>>, vector<1x64x256xf32>,
    %get3A_145 = arith.constant 9 : index
    %get3A_146 = arith.constant 0 : index
    %get3A_147 = arith.constant 0 : index
    %get3A_148 = vector.load %arg2[%get3A_145, %get3A_146, %get3A_147] : memref<26x256x64xf32, #tpu.memory_space<vmem>>, vector<1x256x64xf32>
    %get3A_149 = vector.shape_cast %get3A_148 : vector<1x256x64xf32> to vector<256x64xf32>
    %transpose3A_150 = tpu.transpose %get3A_149, [1, 0] : vector<256x64xf32> -> vector<64x256xf32>
    %swap3A_151 = arith.constant 9 : index
    %swap3A_152 = arith.constant 0 : index
    %swap3A_153 = arith.constant 0 : index
    %swap3A_154 = vector.load %arg17[%swap3A_151, %swap3A_152, %swap3A_153] : memref<26x64x256xf32, #tpu.memory_space<vmem>>, vector<1x64x256xf32>
    %swap3A_155 = vector.shape_cast %swap3A_154 : vector<1x64x256xf32> to vector<64x256xf32>
    %swap3A_156 = vector.shape_cast %transpose3A_150 : vector<64x256xf32> to vector<1x64x256xf32>
    tpu.vector_store %arg17[%swap3A_151, %swap3A_152, %swap3A_153], %swap3A_156 {strides = array<i32>} : memref<26x64x256xf32, #tpu.memory_space<vmem>>, vector<1x64x256xf32>,
    %get3A_157 = arith.constant 10 : index
    %get3A_158 = arith.constant 0 : index
    %get3A_159 = arith.constant 0 : index
    %get3A_160 = vector.load %arg2[%get3A_157, %get3A_158, %get3A_159] : memref<26x256x64xf32, #tpu.memory_space<vmem>>, vector<1x256x64xf32>
    %get3A_161 = vector.shape_cast %get3A_160 : vector<1x256x64xf32> to vector<256x64xf32>
    %transpose3A_162 = tpu.transpose %get3A_161, [1, 0] : vector<256x64xf32> -> vector<64x256xf32>
    %swap3A_163 = arith.constant 10 : index
    %swap3A_164 = arith.constant 0 : index
    %swap3A_165 = arith.constant 0 : index
    %swap3A_166 = vector.load %arg17[%swap3A_163, %swap3A_164, %swap3A_165] : memref<26x64x256xf32, #tpu.memory_space<vmem>>, vector<1x64x256xf32>
    %swap3A_167 = vector.shape_cast %swap3A_166 : vector<1x64x256xf32> to vector<64x256xf32>
    %swap3A_168 = vector.shape_cast %transpose3A_162 : vector<64x256xf32> to vector<1x64x256xf32>
    tpu.vector_store %arg17[%swap3A_163, %swap3A_164, %swap3A_165], %swap3A_168 {strides = array<i32>} : memref<26x64x256xf32, #tpu.memory_space<vmem>>, vector<1x64x256xf32>,
    %get3A_169 = arith.constant 11 : index
    %get3A_170 = arith.constant 0 : index
    %get3A_171 = arith.constant 0 : index
    %get3A_172 = vector.load %arg2[%get3A_169, %get3A_170, %get3A_171] : memref<26x256x64xf32, #tpu.memory_space<vmem>>, vector<1x256x64xf32>
    %get3A_173 = vector.shape_cast %get3A_172 : vector<1x256x64xf32> to vector<256x64xf32>
    %transpose3A_174 = tpu.transpose %get3A_173, [1, 0] : vector<256x64xf32> -> vector<64x256xf32>
    %swap3A_175 = arith.constant 11 : index
    %swap3A_176 = arith.constant 0 : index
    %swap3A_177 = arith.constant 0 : index
    %swap3A_178 = vector.load %arg17[%swap3A_175, %swap3A_176, %swap3A_177] : memref<26x64x256xf32, #tpu.memory_space<vmem>>, vector<1x64x256xf32>
    %swap3A_179 = vector.shape_cast %swap3A_178 : vector<1x64x256xf32> to vector<64x256xf32>
    %swap3A_180 = vector.shape_cast %transpose3A_174 : vector<64x256xf32> to vector<1x64x256xf32>
    tpu.vector_store %arg17[%swap3A_175, %swap3A_176, %swap3A_177], %swap3A_180 {strides = array<i32>} : memref<26x64x256xf32, #tpu.memory_space<vmem>>, vector<1x64x256xf32>,
    %get3A_181 = arith.constant 12 : index
    %get3A_182 = arith.constant 0 : index
    %get3A_183 = arith.constant 0 : index
    %get3A_184 = vector.load %arg2[%get3A_181, %get3A_182, %get3A_183] : memref<26x256x64xf32, #tpu.memory_space<vmem>>, vector<1x256x64xf32>
    %get3A_185 = vector.shape_cast %get3A_184 : vector<1x256x64xf32> to vector<256x64xf32>
    %transpose3A_186 = tpu.transpose %get3A_185, [1, 0] : vector<256x64xf32> -> vector<64x256xf32>
    %swap3A_187 = arith.constant 12 : index
    %swap3A_188 = arith.constant 0 : index
    %swap3A_189 = arith.constant 0 : index
    %swap3A_190 = vector.load %arg17[%swap3A_187, %swap3A_188, %swap3A_189] : memref<26x64x256xf32, #tpu.memory_space<vmem>>, vector<1x64x256xf32>
    %swap3A_191 = vector.shape_cast %swap3A_190 : vector<1x64x256xf32> to vector<64x256xf32>
    %swap3A_192 = vector.shape_cast %transpose3A_186 : vector<64x256xf32> to vector<1x64x256xf32>
    tpu.vector_store %arg17[%swap3A_187, %swap3A_188, %swap3A_189], %swap3A_192 {strides = array<i32>} : memref<26x64x256xf32, #tpu.memory_space<vmem>>, vector<1x64x256xf32>,
    %get3A_193 = arith.constant 13 : index
    %get3A_194 = arith.constant 0 : index
    %get3A_195 = arith.constant 0 : index
    %get3A_196 = vector.load %arg2[%get3A_193, %get3A_194, %get3A_195] : memref<26x256x64xf32, #tpu.memory_space<vmem>>, vector<1x256x64xf32>
    %get3A_197 = vector.shape_cast %get3A_196 : vector<1x256x64xf32> to vector<256x64xf32>
    %transpose3A_198 = tpu.transpose %get3A_197, [1, 0] : vector<256x64xf32> -> vector<64x256xf32>
    %swap3A_199 = arith.constant 13 : index
    %swap3A_200 = arith.constant 0 : index
    %swap3A_201 = arith.constant 0 : index
    %swap3A_202 = vector.load %arg17[%swap3A_199, %swap3A_200, %swap3A_201] : memref<26x64x256xf32, #tpu.memory_space<vmem>>, vector<1x64x256xf32>
    %swap3A_203 = vector.shape_cast %swap3A_202 : vector<1x64x256xf32> to vector<64x256xf32>
    %swap3A_204 = vector.shape_cast %transpose3A_198 : vector<64x256xf32> to vector<1x64x256xf32>
    tpu.vector_store %arg17[%swap3A_199, %swap3A_200, %swap3A_201], %swap3A_204 {strides = array<i32>} : memref<26x64x256xf32, #tpu.memory_space<vmem>>, vector<1x64x256xf32>,
    %get3A_205 = arith.constant 14 : index
    %get3A_206 = arith.constant 0 : index
    %get3A_207 = arith.constant 0 : index
    %get3A_208 = vector.load %arg2[%get3A_205, %get3A_206, %get3A_207] : memref<26x256x64xf32, #tpu.memory_space<vmem>>, vector<1x256x64xf32>
    %get3A_209 = vector.shape_cast %get3A_208 : vector<1x256x64xf32> to vector<256x64xf32>
    %transpose3A_210 = tpu.transpose %get3A_209, [1, 0] : vector<256x64xf32> -> vector<64x256xf32>
    %swap3A_211 = arith.constant 14 : index
    %swap3A_212 = arith.constant 0 : index
    %swap3A_213 = arith.constant 0 : index
    %swap3A_214 = vector.load %arg17[%swap3A_211, %swap3A_212, %swap3A_213] : memref<26x64x256xf32, #tpu.memory_space<vmem>>, vector<1x64x256xf32>
    %swap3A_215 = vector.shape_cast %swap3A_214 : vector<1x64x256xf32> to vector<64x256xf32>
    %swap3A_216 = vector.shape_cast %transpose3A_210 : vector<64x256xf32> to vector<1x64x256xf32>
    tpu.vector_store %arg17[%swap3A_211, %swap3A_212, %swap3A_213], %swap3A_216 {strides = array<i32>} : memref<26x64x256xf32, #tpu.memory_space<vmem>>, vector<1x64x256xf32>,
    %get3A_217 = arith.constant 15 : index
    %get3A_218 = arith.constant 0 : index
    %get3A_219 = arith.constant 0 : index
    %get3A_220 = vector.load %arg2[%get3A_217, %get3A_218, %get3A_219] : memref<26x256x64xf32, #tpu.memory_space<vmem>>, vector<1x256x64xf32>
    %get3A_221 = vector.shape_cast %get3A_220 : vector<1x256x64xf32> to vector<256x64xf32>
    %transpose3A_222 = tpu.transpose %get3A_221, [1, 0] : vector<256x64xf32> -> vector<64x256xf32>
    %swap3A_223 = arith.constant 15 : index
    %swap3A_224 = arith.constant 0 : index
    %swap3A_225 = arith.constant 0 : index
    %swap3A_226 = vector.load %arg17[%swap3A_223, %swap3A_224, %swap3A_225] : memref<26x64x256xf32, #tpu.memory_space<vmem>>, vector<1x64x256xf32>
    %swap3A_227 = vector.shape_cast %swap3A_226 : vector<1x64x256xf32> to vector<64x256xf32>
    %swap3A_228 = vector.shape_cast %transpose3A_222 : vector<64x256xf32> to vector<1x64x256xf32>
    tpu.vector_store %arg17[%swap3A_223, %swap3A_224, %swap3A_225], %swap3A_228 {strides = array<i32>} : memref<26x64x256xf32, #tpu.memory_space<vmem>>, vector<1x64x256xf32>,
    %get3A_229 = arith.constant 16 : index
    %get3A_230 = arith.constant 0 : index
    %get3A_231 = arith.constant 0 : index
    %get3A_232 = vector.load %arg2[%get3A_229, %get3A_230, %get3A_231] : memref<26x256x64xf32, #tpu.memory_space<vmem>>, vector<1x256x64xf32>
    %get3A_233 = vector.shape_cast %get3A_232 : vector<1x256x64xf32> to vector<256x64xf32>
    %transpose3A_234 = tpu.transpose %get3A_233, [1, 0] : vector<256x64xf32> -> vector<64x256xf32>
    %swap3A_235 = arith.constant 16 : index
    %swap3A_236 = arith.constant 0 : index
    %swap3A_237 = arith.constant 0 : index
    %swap3A_238 = vector.load %arg17[%swap3A_235, %swap3A_236, %swap3A_237] : memref<26x64x256xf32, #tpu.memory_space<vmem>>, vector<1x64x256xf32>
    %swap3A_239 = vector.shape_cast %swap3A_238 : vector<1x64x256xf32> to vector<64x256xf32>
    %swap3A_240 = vector.shape_cast %transpose3A_234 : vector<64x256xf32> to vector<1x64x256xf32>
    tpu.vector_store %arg17[%swap3A_235, %swap3A_236, %swap3A_237], %swap3A_240 {strides = array<i32>} : memref<26x64x256xf32, #tpu.memory_space<vmem>>, vector<1x64x256xf32>,
    %get3A_241 = arith.constant 17 : index
    %get3A_242 = arith.constant 0 : index
    %get3A_243 = arith.constant 0 : index
    %get3A_244 = vector.load %arg2[%get3A_241, %get3A_242, %get3A_243] : memref<26x256x64xf32, #tpu.memory_space<vmem>>, vector<1x256x64xf32>
    %get3A_245 = vector.shape_cast %get3A_244 : vector<1x256x64xf32> to vector<256x64xf32>
    %transpose3A_246 = tpu.transpose %get3A_245, [1, 0] : vector<256x64xf32> -> vector<64x256xf32>
    %swap3A_247 = arith.constant 17 : index
    %swap3A_248 = arith.constant 0 : index
    %swap3A_249 = arith.constant 0 : index
    %swap3A_250 = vector.load %arg17[%swap3A_247, %swap3A_248, %swap3A_249] : memref<26x64x256xf32, #tpu.memory_space<vmem>>, vector<1x64x256xf32>
    %swap3A_251 = vector.shape_cast %swap3A_250 : vector<1x64x256xf32> to vector<64x256xf32>
    %swap3A_252 = vector.shape_cast %transpose3A_246 : vector<64x256xf32> to vector<1x64x256xf32>
    tpu.vector_store %arg17[%swap3A_247, %swap3A_248, %swap3A_249], %swap3A_252 {strides = array<i32>} : memref<26x64x256xf32, #tpu.memory_space<vmem>>, vector<1x64x256xf32>,
    %get3A_253 = arith.constant 18 : index
    %get3A_254 = arith.constant 0 : index
    %get3A_255 = arith.constant 0 : index
    %get3A_256 = vector.load %arg2[%get3A_253, %get3A_254, %get3A_255] : memref<26x256x64xf32, #tpu.memory_space<vmem>>, vector<1x256x64xf32>
    %get3A_257 = vector.shape_cast %get3A_256 : vector<1x256x64xf32> to vector<256x64xf32>
    %transpose3A_258 = tpu.transpose %get3A_257, [1, 0] : vector<256x64xf32> -> vector<64x256xf32>
    %swap3A_259 = arith.constant 18 : index
    %swap3A_260 = arith.constant 0 : index
    %swap3A_261 = arith.constant 0 : index
    %swap3A_262 = vector.load %arg17[%swap3A_259, %swap3A_260, %swap3A_261] : memref<26x64x256xf32, #tpu.memory_space<vmem>>, vector<1x64x256xf32>
    %swap3A_263 = vector.shape_cast %swap3A_262 : vector<1x64x256xf32> to vector<64x256xf32>
    %swap3A_264 = vector.shape_cast %transpose3A_258 : vector<64x256xf32> to vector<1x64x256xf32>
    tpu.vector_store %arg17[%swap3A_259, %swap3A_260, %swap3A_261], %swap3A_264 {strides = array<i32>} : memref<26x64x256xf32, #tpu.memory_space<vmem>>, vector<1x64x256xf32>,
    %get3A_265 = arith.constant 19 : index
    %get3A_266 = arith.constant 0 : index
    %get3A_267 = arith.constant 0 : index
    %get3A_268 = vector.load %arg2[%get3A_265, %get3A_266, %get3A_267] : memref<26x256x64xf32, #tpu.memory_space<vmem>>, vector<1x256x64xf32>
    %get3A_269 = vector.shape_cast %get3A_268 : vector<1x256x64xf32> to vector<256x64xf32>
    %transpose3A_270 = tpu.transpose %get3A_269, [1, 0] : vector<256x64xf32> -> vector<64x256xf32>
    %swap3A_271 = arith.constant 19 : index
    %swap3A_272 = arith.constant 0 : index
    %swap3A_273 = arith.constant 0 : index
    %swap3A_274 = vector.load %arg17[%swap3A_271, %swap3A_272, %swap3A_273] : memref<26x64x256xf32, #tpu.memory_space<vmem>>, vector<1x64x256xf32>
    %swap3A_275 = vector.shape_cast %swap3A_274 : vector<1x64x256xf32> to vector<64x256xf32>
    %swap3A_276 = vector.shape_cast %transpose3A_270 : vector<64x256xf32> to vector<1x64x256xf32>
    tpu.vector_store %arg17[%swap3A_271, %swap3A_272, %swap3A_273], %swap3A_276 {strides = array<i32>} : memref<26x64x256xf32, #tpu.memory_space<vmem>>, vector<1x64x256xf32>,
    %get3A_277 = arith.constant 20 : index
    %get3A_278 = arith.constant 0 : index
    %get3A_279 = arith.constant 0 : index
    %get3A_280 = vector.load %arg2[%get3A_277, %get3A_278, %get3A_279] : memref<26x256x64xf32, #tpu.memory_space<vmem>>, vector<1x256x64xf32>
    %get3A_281 = vector.shape_cast %get3A_280 : vector<1x256x64xf32> to vector<256x64xf32>
    %transpose3A_282 = tpu.transpose %get3A_281, [1, 0] : vector<256x64xf32> -> vector<64x256xf32>
    %swap3A_283 = arith.constant 20 : index
    %swap3A_284 = arith.constant 0 : index
    %swap3A_285 = arith.constant 0 : index
    %swap3A_286 = vector.load %arg17[%swap3A_283, %swap3A_284, %swap3A_285] : memref<26x64x256xf32, #tpu.memory_space<vmem>>, vector<1x64x256xf32>
    %swap3A_287 = vector.shape_cast %swap3A_286 : vector<1x64x256xf32> to vector<64x256xf32>
    %swap3A_288 = vector.shape_cast %transpose3A_282 : vector<64x256xf32> to vector<1x64x256xf32>
    tpu.vector_store %arg17[%swap3A_283, %swap3A_284, %swap3A_285], %swap3A_288 {strides = array<i32>} : memref<26x64x256xf32, #tpu.memory_space<vmem>>, vector<1x64x256xf32>,
    %get3A_289 = arith.constant 21 : index
    %get3A_290 = arith.constant 0 : index
    %get3A_291 = arith.constant 0 : index
    %get3A_292 = vector.load %arg2[%get3A_289, %get3A_290, %get3A_291] : memref<26x256x64xf32, #tpu.memory_space<vmem>>, vector<1x256x64xf32>
    %get3A_293 = vector.shape_cast %get3A_292 : vector<1x256x64xf32> to vector<256x64xf32>
    %transpose3A_294 = tpu.transpose %get3A_293, [1, 0] : vector<256x64xf32> -> vector<64x256xf32>
    %swap3A_295 = arith.constant 21 : index
    %swap3A_296 = arith.constant 0 : index
    %swap3A_297 = arith.constant 0 : index
    %swap3A_298 = vector.load %arg17[%swap3A_295, %swap3A_296, %swap3A_297] : memref<26x64x256xf32, #tpu.memory_space<vmem>>, vector<1x64x256xf32>
    %swap3A_299 = vector.shape_cast %swap3A_298 : vector<1x64x256xf32> to vector<64x256xf32>
    %swap3A_300 = vector.shape_cast %transpose3A_294 : vector<64x256xf32> to vector<1x64x256xf32>
    tpu.vector_store %arg17[%swap3A_295, %swap3A_296, %swap3A_297], %swap3A_300 {strides = array<i32>} : memref<26x64x256xf32, #tpu.memory_space<vmem>>, vector<1x64x256xf32>,
    %get3A_301 = arith.constant 22 : index
    %get3A_302 = arith.constant 0 : index
    %get3A_303 = arith.constant 0 : index
    %get3A_304 = vector.load %arg2[%get3A_301, %get3A_302, %get3A_303] : memref<26x256x64xf32, #tpu.memory_space<vmem>>, vector<1x256x64xf32>
    %get3A_305 = vector.shape_cast %get3A_304 : vector<1x256x64xf32> to vector<256x64xf32>
    %transpose3A_306 = tpu.transpose %get3A_305, [1, 0] : vector<256x64xf32> -> vector<64x256xf32>
    %swap3A_307 = arith.constant 22 : index
    %swap3A_308 = arith.constant 0 : index
    %swap3A_309 = arith.constant 0 : index
    %swap3A_310 = vector.load %arg17[%swap3A_307, %swap3A_308, %swap3A_309] : memref<26x64x256xf32, #tpu.memory_space<vmem>>, vector<1x64x256xf32>
    %swap3A_311 = vector.shape_cast %swap3A_310 : vector<1x64x256xf32> to vector<64x256xf32>
    %swap3A_312 = vector.shape_cast %transpose3A_306 : vector<64x256xf32> to vector<1x64x256xf32>
    tpu.vector_store %arg17[%swap3A_307, %swap3A_308, %swap3A_309], %swap3A_312 {strides = array<i32>} : memref<26x64x256xf32, #tpu.memory_space<vmem>>, vector<1x64x256xf32>,
    %get3A_313 = arith.constant 23 : index
    %get3A_314 = arith.constant 0 : index
    %get3A_315 = arith.constant 0 : index
    %get3A_316 = vector.load %arg2[%get3A_313, %get3A_314, %get3A_315] : memref<26x256x64xf32, #tpu.memory_space<vmem>>, vector<1x256x64xf32>
    %get3A_317 = vector.shape_cast %get3A_316 : vector<1x256x64xf32> to vector<256x64xf32>
    %transpose3A_318 = tpu.transpose %get3A_317, [1, 0] : vector<256x64xf32> -> vector<64x256xf32>
    %swap3A_319 = arith.constant 23 : index
    %swap3A_320 = arith.constant 0 : index
    %swap3A_321 = arith.constant 0 : index
    %swap3A_322 = vector.load %arg17[%swap3A_319, %swap3A_320, %swap3A_321] : memref<26x64x256xf32, #tpu.memory_space<vmem>>, vector<1x64x256xf32>
    %swap3A_323 = vector.shape_cast %swap3A_322 : vector<1x64x256xf32> to vector<64x256xf32>
    %swap3A_324 = vector.shape_cast %transpose3A_318 : vector<64x256xf32> to vector<1x64x256xf32>
    tpu.vector_store %arg17[%swap3A_319, %swap3A_320, %swap3A_321], %swap3A_324 {strides = array<i32>} : memref<26x64x256xf32, #tpu.memory_space<vmem>>, vector<1x64x256xf32>,
    %get3A_325 = arith.constant 24 : index
    %get3A_326 = arith.constant 0 : index
    %get3A_327 = arith.constant 0 : index
    %get3A_328 = vector.load %arg2[%get3A_325, %get3A_326, %get3A_327] : memref<26x256x64xf32, #tpu.memory_space<vmem>>, vector<1x256x64xf32>
    %get3A_329 = vector.shape_cast %get3A_328 : vector<1x256x64xf32> to vector<256x64xf32>
    %transpose3A_330 = tpu.transpose %get3A_329, [1, 0] : vector<256x64xf32> -> vector<64x256xf32>
    %swap3A_331 = arith.constant 24 : index
    %swap3A_332 = arith.constant 0 : index
    %swap3A_333 = arith.constant 0 : index
    %swap3A_334 = vector.load %arg17[%swap3A_331, %swap3A_332, %swap3A_333] : memref<26x64x256xf32, #tpu.memory_space<vmem>>, vector<1x64x256xf32>
    %swap3A_335 = vector.shape_cast %swap3A_334 : vector<1x64x256xf32> to vector<64x256xf32>
    %swap3A_336 = vector.shape_cast %transpose3A_330 : vector<64x256xf32> to vector<1x64x256xf32>
    tpu.vector_store %arg17[%swap3A_331, %swap3A_332, %swap3A_333], %swap3A_336 {strides = array<i32>} : memref<26x64x256xf32, #tpu.memory_space<vmem>>, vector<1x64x256xf32>,
    %get3A_337 = arith.constant 25 : index
    %get3A_338 = arith.constant 0 : index
    %get3A_339 = arith.constant 0 : index
    %get3A_340 = vector.load %arg2[%get3A_337, %get3A_338, %get3A_339] : memref<26x256x64xf32, #tpu.memory_space<vmem>>, vector<1x256x64xf32>
    %get3A_341 = vector.shape_cast %get3A_340 : vector<1x256x64xf32> to vector<256x64xf32>
    %transpose3A_342 = tpu.transpose %get3A_341, [1, 0] : vector<256x64xf32> -> vector<64x256xf32>
    %swap3A_343 = arith.constant 25 : index
    %swap3A_344 = arith.constant 0 : index
    %swap3A_345 = arith.constant 0 : index
    %swap3A_346 = vector.load %arg17[%swap3A_343, %swap3A_344, %swap3A_345] : memref<26x64x256xf32, #tpu.memory_space<vmem>>, vector<1x64x256xf32>
    %swap3A_347 = vector.shape_cast %swap3A_346 : vector<1x64x256xf32> to vector<64x256xf32>
    %swap3A_348 = vector.shape_cast %transpose3A_342 : vector<64x256xf32> to vector<1x64x256xf32>
    tpu.vector_store %arg17[%swap3A_343, %swap3A_344, %swap3A_345], %swap3A_348 {strides = array<i32>} : memref<26x64x256xf32, #tpu.memory_space<vmem>>, vector<1x64x256xf32>,
    %get3A_349 = arith.constant 0 : index
    %get3A_350 = arith.constant 0 : index
    %get3A_351 = arith.constant 0 : index
    %get3A_352 = vector.load %arg17[%get3A_349, %get3A_350, %get3A_351] : memref<26x64x256xf32, #tpu.memory_space<vmem>>, vector<26x64x256xf32>
    %broadcast_in_dim3A = vector.shape_cast %transpose3A : vector<64x256xf32> to vector<1x64x256xf32>
    %mul3A = vector.broadcast %broadcast_in_dim3A : vector<1x64x256xf32> to vector<26x64x256xf32>
    %mul3A_353 = arith.mulf %get3A_352, %mul3A : vector<26x64x256xf32>
    %reduce_sum3A = arith.constant dense<0.000000e+00> : vector<26x256xf32>
    %reduce_sum3A_354 = vector.multi_reduction <add>, %mul3A_353, %reduce_sum3A [1] : vector<26x64x256xf32> to vector<26x256xf32>
    %slice3A = vector.extract_strided_slice %reduce_sum3A_354 {offsets = [0, 0], sizes = [1, 256], strides = [1, 1]} : vector<26x256xf32> to vector<1x256xf32>
    %squeeze3A = vector.shape_cast %slice3A : vector<1x256xf32> to vector<256xf32>
    %swap3A_355 = arith.constant 0 : index
    %swap3A_356 = arith.constant 0 : index
    %swap3A_357 = vector.load %arg18[%swap3A_355, %swap3A_356] : memref<352x256xf32, #tpu.memory_space<vmem>>, vector<1x256xf32>
    %swap3A_358 = vector.shape_cast %swap3A_357 : vector<1x256xf32> to vector<256xf32>
    %swap3A_359 = vector.shape_cast %squeeze3A : vector<256xf32> to vector<1x256xf32>
    tpu.vector_store %arg18[%swap3A_355, %swap3A_356], %swap3A_359 {strides = array<i32>} : memref<352x256xf32, #tpu.memory_space<vmem>>, vector<1x256xf32>,
    %slice3A_360 = vector.extract_strided_slice %reduce_sum3A_354 {offsets = [1, 0], sizes = [1, 256], strides = [1, 1]} : vector<26x256xf32> to vector<1x256xf32>
    %squeeze3A_361 = vector.shape_cast %slice3A_360 : vector<1x256xf32> to vector<256xf32>
    %swap3A_362 = arith.constant 1 : index
    %swap3A_363 = arith.constant 0 : index
    %swap3A_364 = vector.load %arg18[%swap3A_362, %swap3A_363] : memref<352x256xf32, #tpu.memory_space<vmem>>, vector<1x256xf32>
    %swap3A_365 = vector.shape_cast %swap3A_364 : vector<1x256xf32> to vector<256xf32>
    %swap3A_366 = vector.shape_cast %squeeze3A_361 : vector<256xf32> to vector<1x256xf32>
    tpu.vector_store %arg18[%swap3A_362, %swap3A_363], %swap3A_366 {strides = array<i32>} : memref<352x256xf32, #tpu.memory_space<vmem>>, vector<1x256xf32>,
    %slice3A_367 = vector.extract_strided_slice %reduce_sum3A_354 {offsets = [2, 0], sizes = [1, 256], strides = [1, 1]} : vector<26x256xf32> to vector<1x256xf32>
    %squeeze3A_368 = vector.shape_cast %slice3A_367 : vector<1x256xf32> to vector<256xf32>
    %swap3A_369 = arith.constant 3 : index
    %swap3A_370 = arith.constant 0 : index
    %swap3A_371 = vector.load %arg18[%swap3A_369, %swap3A_370] : memref<352x256xf32, #tpu.memory_space<vmem>>, vector<1x256xf32>
    %swap3A_372 = vector.shape_cast %swap3A_371 : vector<1x256xf32> to vector<256xf32>
    %swap3A_373 = vector.shape_cast %squeeze3A_368 : vector<256xf32> to vector<1x256xf32>
    tpu.vector_store %arg18[%swap3A_369, %swap3A_370], %swap3A_373 {strides = array<i32>} : memref<352x256xf32, #tpu.memory_space<vmem>>, vector<1x256xf32>,
    %slice3A_374 = vector.extract_strided_slice %reduce_sum3A_354 {offsets = [3, 0], sizes = [1, 256], strides = [1, 1]} : vector<26x256xf32> to vector<1x256xf32>
    %squeeze3A_375 = vector.shape_cast %slice3A_374 : vector<1x256xf32> to vector<256xf32>
    %swap3A_376 = arith.constant 6 : index
    %swap3A_377 = arith.constant 0 : index
    %swap3A_378 = vector.load %arg18[%swap3A_376, %swap3A_377] : memref<352x256xf32, #tpu.memory_space<vmem>>, vector<1x256xf32>
    %swap3A_379 = vector.shape_cast %swap3A_378 : vector<1x256xf32> to vector<256xf32>
    %swap3A_380 = vector.shape_cast %squeeze3A_375 : vector<256xf32> to vector<1x256xf32>
    tpu.vector_store %arg18[%swap3A_376, %swap3A_377], %swap3A_380 {strides = array<i32>} : memref<352x256xf32, #tpu.memory_space<vmem>>, vector<1x256xf32>,
    %slice3A_381 = vector.extract_strided_slice %reduce_sum3A_354 {offsets = [4, 0], sizes = [1, 256], strides = [1, 1]} : vector<26x256xf32> to vector<1x256xf32>
    %squeeze3A_382 = vector.shape_cast %slice3A_381 : vector<1x256xf32> to vector<256xf32>
    %swap3A_383 = arith.constant 10 : index
    %swap3A_384 = arith.constant 0 : index
    %swap3A_385 = vector.load %arg18[%swap3A_383, %swap3A_384] : memref<352x256xf32, #tpu.memory_space<vmem>>, vector<1x256xf32>
    %swap3A_386 = vector.shape_cast %swap3A_385 : vector<1x256xf32> to vector<256xf32>
    %swap3A_387 = vector.shape_cast %squeeze3A_382 : vector<256xf32> to vector<1x256xf32>
    tpu.vector_store %arg18[%swap3A_383, %swap3A_384], %swap3A_387 {strides = array<i32>} : memref<352x256xf32, #tpu.memory_space<vmem>>, vector<1x256xf32>,
    %slice3A_388 = vector.extract_strided_slice %reduce_sum3A_354 {offsets = [5, 0], sizes = [1, 256], strides = [1, 1]} : vector<26x256xf32> to vector<1x256xf32>
    %squeeze3A_389 = vector.shape_cast %slice3A_388 : vector<1x256xf32> to vector<256xf32>
    %swap3A_390 = arith.constant 15 : index
    %swap3A_391 = arith.constant 0 : index
    %swap3A_392 = vector.load %arg18[%swap3A_390, %swap3A_391] : memref<352x256xf32, #tpu.memory_space<vmem>>, vector<1x256xf32>
    %swap3A_393 = vector.shape_cast %swap3A_392 : vector<1x256xf32> to vector<256xf32>
    %swap3A_394 = vector.shape_cast %squeeze3A_389 : vector<256xf32> to vector<1x256xf32>
    tpu.vector_store %arg18[%swap3A_390, %swap3A_391], %swap3A_394 {strides = array<i32>} : memref<352x256xf32, #tpu.memory_space<vmem>>, vector<1x256xf32>,
    %slice3A_395 = vector.extract_strided_slice %reduce_sum3A_354 {offsets = [6, 0], sizes = [1, 256], strides = [1, 1]} : vector<26x256xf32> to vector<1x256xf32>
    %squeeze3A_396 = vector.shape_cast %slice3A_395 : vector<1x256xf32> to vector<256xf32>
    %swap3A_397 = arith.constant 21 : index
    %swap3A_398 = arith.constant 0 : index
    %swap3A_399 = vector.load %arg18[%swap3A_397, %swap3A_398] : memref<352x256xf32, #tpu.memory_space<vmem>>, vector<1x256xf32>
    %swap3A_400 = vector.shape_cast %swap3A_399 : vector<1x256xf32> to vector<256xf32>
    %swap3A_401 = vector.shape_cast %squeeze3A_396 : vector<256xf32> to vector<1x256xf32>
    tpu.vector_store %arg18[%swap3A_397, %swap3A_398], %swap3A_401 {strides = array<i32>} : memref<352x256xf32, #tpu.memory_space<vmem>>, vector<1x256xf32>,
    %slice3A_402 = vector.extract_strided_slice %reduce_sum3A_354 {offsets = [7, 0], sizes = [1, 256], strides = [1, 1]} : vector<26x256xf32> to vector<1x256xf32>
    %squeeze3A_403 = vector.shape_cast %slice3A_402 : vector<1x256xf32> to vector<256xf32>
    %swap3A_404 = arith.constant 28 : index
    %swap3A_405 = arith.constant 0 : index
    %swap3A_406 = vector.load %arg18[%swap3A_404, %swap3A_405] : memref<352x256xf32, #tpu.memory_space<vmem>>, vector<1x256xf32>
    %swap3A_407 = vector.shape_cast %swap3A_406 : vector<1x256xf32> to vector<256xf32>
    %swap3A_408 = vector.shape_cast %squeeze3A_403 : vector<256xf32> to vector<1x256xf32>
    tpu.vector_store %arg18[%swap3A_404, %swap3A_405], %swap3A_408 {strides = array<i32>} : memref<352x256xf32, #tpu.memory_space<vmem>>, vector<1x256xf32>,
    %slice3A_409 = vector.extract_strided_slice %reduce_sum3A_354 {offsets = [8, 0], sizes = [1, 256], strides = [1, 1]} : vector<26x256xf32> to vector<1x256xf32>
    %squeeze3A_410 = vector.shape_cast %slice3A_409 : vector<1x256xf32> to vector<256xf32>
    %swap3A_411 = arith.constant 36 : index
    %swap3A_412 = arith.constant 0 : index
    %swap3A_413 = vector.load %arg18[%swap3A_411, %swap3A_412] : memref<352x256xf32, #tpu.memory_space<vmem>>, vector<1x256xf32>
    %swap3A_414 = vector.shape_cast %swap3A_413 : vector<1x256xf32> to vector<256xf32>
    %swap3A_415 = vector.shape_cast %squeeze3A_410 : vector<256xf32> to vector<1x256xf32>
    tpu.vector_store %arg18[%swap3A_411, %swap3A_412], %swap3A_415 {strides = array<i32>} : memref<352x256xf32, #tpu.memory_space<vmem>>, vector<1x256xf32>,
    %slice3A_416 = vector.extract_strided_slice %reduce_sum3A_354 {offsets = [9, 0], sizes = [1, 256], strides = [1, 1]} : vector<26x256xf32> to vector<1x256xf32>
    %squeeze3A_417 = vector.shape_cast %slice3A_416 : vector<1x256xf32> to vector<256xf32>
    %swap3A_418 = arith.constant 45 : index
    %swap3A_419 = arith.constant 0 : index
    %swap3A_420 = vector.load %arg18[%swap3A_418, %swap3A_419] : memref<352x256xf32, #tpu.memory_space<vmem>>, vector<1x256xf32>
    %swap3A_421 = vector.shape_cast %swap3A_420 : vector<1x256xf32> to vector<256xf32>
    %swap3A_422 = vector.shape_cast %squeeze3A_417 : vector<256xf32> to vector<1x256xf32>
    tpu.vector_store %arg18[%swap3A_418, %swap3A_419], %swap3A_422 {strides = array<i32>} : memref<352x256xf32, #tpu.memory_space<vmem>>, vector<1x256xf32>,
    %slice3A_423 = vector.extract_strided_slice %reduce_sum3A_354 {offsets = [10, 0], sizes = [1, 256], strides = [1, 1]} : vector<26x256xf32> to vector<1x256xf32>
    %squeeze3A_424 = vector.shape_cast %slice3A_423 : vector<1x256xf32> to vector<256xf32>
    %swap3A_425 = arith.constant 55 : index
    %swap3A_426 = arith.constant 0 : index
    %swap3A_427 = vector.load %arg18[%swap3A_425, %swap3A_426] : memref<352x256xf32, #tpu.memory_space<vmem>>, vector<1x256xf32>
    %swap3A_428 = vector.shape_cast %swap3A_427 : vector<1x256xf32> to vector<256xf32>
    %swap3A_429 = vector.shape_cast %squeeze3A_424 : vector<256xf32> to vector<1x256xf32>
    tpu.vector_store %arg18[%swap3A_425, %swap3A_426], %swap3A_429 {strides = array<i32>} : memref<352x256xf32, #tpu.memory_space<vmem>>, vector<1x256xf32>,
    %slice3A_430 = vector.extract_strided_slice %reduce_sum3A_354 {offsets = [11, 0], sizes = [1, 256], strides = [1, 1]} : vector<26x256xf32> to vector<1x256xf32>
    %squeeze3A_431 = vector.shape_cast %slice3A_430 : vector<1x256xf32> to vector<256xf32>
    %swap3A_432 = arith.constant 66 : index
    %swap3A_433 = arith.constant 0 : index
    %swap3A_434 = vector.load %arg18[%swap3A_432, %swap3A_433] : memref<352x256xf32, #tpu.memory_space<vmem>>, vector<1x256xf32>
    %swap3A_435 = vector.shape_cast %swap3A_434 : vector<1x256xf32> to vector<256xf32>
    %swap3A_436 = vector.shape_cast %squeeze3A_431 : vector<256xf32> to vector<1x256xf32>
    tpu.vector_store %arg18[%swap3A_432, %swap3A_433], %swap3A_436 {strides = array<i32>} : memref<352x256xf32, #tpu.memory_space<vmem>>, vector<1x256xf32>,
    %slice3A_437 = vector.extract_strided_slice %reduce_sum3A_354 {offsets = [12, 0], sizes = [1, 256], strides = [1, 1]} : vector<26x256xf32> to vector<1x256xf32>
    %squeeze3A_438 = vector.shape_cast %slice3A_437 : vector<1x256xf32> to vector<256xf32>
    %swap3A_439 = arith.constant 78 : index
    %swap3A_440 = arith.constant 0 : index
    %swap3A_441 = vector.load %arg18[%swap3A_439, %swap3A_440] : memref<352x256xf32, #tpu.memory_space<vmem>>, vector<1x256xf32>
    %swap3A_442 = vector.shape_cast %swap3A_441 : vector<1x256xf32> to vector<256xf32>
    %swap3A_443 = vector.shape_cast %squeeze3A_438 : vector<256xf32> to vector<1x256xf32>
    tpu.vector_store %arg18[%swap3A_439, %swap3A_440], %swap3A_443 {strides = array<i32>} : memref<352x256xf32, #tpu.memory_space<vmem>>, vector<1x256xf32>,
    %slice3A_444 = vector.extract_strided_slice %reduce_sum3A_354 {offsets = [13, 0], sizes = [1, 256], strides = [1, 1]} : vector<26x256xf32> to vector<1x256xf32>
    %squeeze3A_445 = vector.shape_cast %slice3A_444 : vector<1x256xf32> to vector<256xf32>
    %swap3A_446 = arith.constant 91 : index
    %swap3A_447 = arith.constant 0 : index
    %swap3A_448 = vector.load %arg18[%swap3A_446, %swap3A_447] : memref<352x256xf32, #tpu.memory_space<vmem>>, vector<1x256xf32>
    %swap3A_449 = vector.shape_cast %swap3A_448 : vector<1x256xf32> to vector<256xf32>
    %swap3A_450 = vector.shape_cast %squeeze3A_445 : vector<256xf32> to vector<1x256xf32>
    tpu.vector_store %arg18[%swap3A_446, %swap3A_447], %swap3A_450 {strides = array<i32>} : memref<352x256xf32, #tpu.memory_space<vmem>>, vector<1x256xf32>,
    %slice3A_451 = vector.extract_strided_slice %reduce_sum3A_354 {offsets = [14, 0], sizes = [1, 256], strides = [1, 1]} : vector<26x256xf32> to vector<1x256xf32>
    %squeeze3A_452 = vector.shape_cast %slice3A_451 : vector<1x256xf32> to vector<256xf32>
    %swap3A_453 = arith.constant 105 : index
    %swap3A_454 = arith.constant 0 : index
    %swap3A_455 = vector.load %arg18[%swap3A_453, %swap3A_454] : memref<352x256xf32, #tpu.memory_space<vmem>>, vector<1x256xf32>
    %swap3A_456 = vector.shape_cast %swap3A_455 : vector<1x256xf32> to vector<256xf32>
    %swap3A_457 = vector.shape_cast %squeeze3A_452 : vector<256xf32> to vector<1x256xf32>
    tpu.vector_store %arg18[%swap3A_453, %swap3A_454], %swap3A_457 {strides = array<i32>} : memref<352x256xf32, #tpu.memory_space<vmem>>, vector<1x256xf32>,
    %slice3A_458 = vector.extract_strided_slice %reduce_sum3A_354 {offsets = [15, 0], sizes = [1, 256], strides = [1, 1]} : vector<26x256xf32> to vector<1x256xf32>
    %squeeze3A_459 = vector.shape_cast %slice3A_458 : vector<1x256xf32> to vector<256xf32>
    %swap3A_460 = arith.constant 120 : index
    %swap3A_461 = arith.constant 0 : index
    %swap3A_462 = vector.load %arg18[%swap3A_460, %swap3A_461] : memref<352x256xf32, #tpu.memory_space<vmem>>, vector<1x256xf32>
    %swap3A_463 = vector.shape_cast %swap3A_462 : vector<1x256xf32> to vector<256xf32>
    %swap3A_464 = vector.shape_cast %squeeze3A_459 : vector<256xf32> to vector<1x256xf32>
    tpu.vector_store %arg18[%swap3A_460, %swap3A_461], %swap3A_464 {strides = array<i32>} : memref<352x256xf32, #tpu.memory_space<vmem>>, vector<1x256xf32>,
    %slice3A_465 = vector.extract_strided_slice %reduce_sum3A_354 {offsets = [16, 0], sizes = [1, 256], strides = [1, 1]} : vector<26x256xf32> to vector<1x256xf32>
    %squeeze3A_466 = vector.shape_cast %slice3A_465 : vector<1x256xf32> to vector<256xf32>
    %swap3A_467 = arith.constant 136 : index
    %swap3A_468 = arith.constant 0 : index
    %swap3A_469 = vector.load %arg18[%swap3A_467, %swap3A_468] : memref<352x256xf32, #tpu.memory_space<vmem>>, vector<1x256xf32>
    %swap3A_470 = vector.shape_cast %swap3A_469 : vector<1x256xf32> to vector<256xf32>
    %swap3A_471 = vector.shape_cast %squeeze3A_466 : vector<256xf32> to vector<1x256xf32>
    tpu.vector_store %arg18[%swap3A_467, %swap3A_468], %swap3A_471 {strides = array<i32>} : memref<352x256xf32, #tpu.memory_space<vmem>>, vector<1x256xf32>,
    %slice3A_472 = vector.extract_strided_slice %reduce_sum3A_354 {offsets = [17, 0], sizes = [1, 256], strides = [1, 1]} : vector<26x256xf32> to vector<1x256xf32>
    %squeeze3A_473 = vector.shape_cast %slice3A_472 : vector<1x256xf32> to vector<256xf32>
    %swap3A_474 = arith.constant 153 : index
    %swap3A_475 = arith.constant 0 : index
    %swap3A_476 = vector.load %arg18[%swap3A_474, %swap3A_475] : memref<352x256xf32, #tpu.memory_space<vmem>>, vector<1x256xf32>
    %swap3A_477 = vector.shape_cast %swap3A_476 : vector<1x256xf32> to vector<256xf32>
    %swap3A_478 = vector.shape_cast %squeeze3A_473 : vector<256xf32> to vector<1x256xf32>
    tpu.vector_store %arg18[%swap3A_474, %swap3A_475], %swap3A_478 {strides = array<i32>} : memref<352x256xf32, #tpu.memory_space<vmem>>, vector<1x256xf32>,
    %slice3A_479 = vector.extract_strided_slice %reduce_sum3A_354 {offsets = [18, 0], sizes = [1, 256], strides = [1, 1]} : vector<26x256xf32> to vector<1x256xf32>
    %squeeze3A_480 = vector.shape_cast %slice3A_479 : vector<1x256xf32> to vector<256xf32>
    %swap3A_481 = arith.constant 171 : index
    %swap3A_482 = arith.constant 0 : index
    %swap3A_483 = vector.load %arg18[%swap3A_481, %swap3A_482] : memref<352x256xf32, #tpu.memory_space<vmem>>, vector<1x256xf32>
    %swap3A_484 = vector.shape_cast %swap3A_483 : vector<1x256xf32> to vector<256xf32>
    %swap3A_485 = vector.shape_cast %squeeze3A_480 : vector<256xf32> to vector<1x256xf32>
    tpu.vector_store %arg18[%swap3A_481, %swap3A_482], %swap3A_485 {strides = array<i32>} : memref<352x256xf32, #tpu.memory_space<vmem>>, vector<1x256xf32>,
    %slice3A_486 = vector.extract_strided_slice %reduce_sum3A_354 {offsets = [19, 0], sizes = [1, 256], strides = [1, 1]} : vector<26x256xf32> to vector<1x256xf32>
    %squeeze3A_487 = vector.shape_cast %slice3A_486 : vector<1x256xf32> to vector<256xf32>
    %swap3A_488 = arith.constant 190 : index
    %swap3A_489 = arith.constant 0 : index
    %swap3A_490 = vector.load %arg18[%swap3A_488, %swap3A_489] : memref<352x256xf32, #tpu.memory_space<vmem>>, vector<1x256xf32>
    %swap3A_491 = vector.shape_cast %swap3A_490 : vector<1x256xf32> to vector<256xf32>
    %swap3A_492 = vector.shape_cast %squeeze3A_487 : vector<256xf32> to vector<1x256xf32>
    tpu.vector_store %arg18[%swap3A_488, %swap3A_489], %swap3A_492 {strides = array<i32>} : memref<352x256xf32, #tpu.memory_space<vmem>>, vector<1x256xf32>,
    %slice3A_493 = vector.extract_strided_slice %reduce_sum3A_354 {offsets = [20, 0], sizes = [1, 256], strides = [1, 1]} : vector<26x256xf32> to vector<1x256xf32>
    %squeeze3A_494 = vector.shape_cast %slice3A_493 : vector<1x256xf32> to vector<256xf32>
    %swap3A_495 = arith.constant 210 : index
    %swap3A_496 = arith.constant 0 : index
    %swap3A_497 = vector.load %arg18[%swap3A_495, %swap3A_496] : memref<352x256xf32, #tpu.memory_space<vmem>>, vector<1x256xf32>
    %swap3A_498 = vector.shape_cast %swap3A_497 : vector<1x256xf32> to vector<256xf32>
    %swap3A_499 = vector.shape_cast %squeeze3A_494 : vector<256xf32> to vector<1x256xf32>
    tpu.vector_store %arg18[%swap3A_495, %swap3A_496], %swap3A_499 {strides = array<i32>} : memref<352x256xf32, #tpu.memory_space<vmem>>, vector<1x256xf32>,
    %slice3A_500 = vector.extract_strided_slice %reduce_sum3A_354 {offsets = [21, 0], sizes = [1, 256], strides = [1, 1]} : vector<26x256xf32> to vector<1x256xf32>
    %squeeze3A_501 = vector.shape_cast %slice3A_500 : vector<1x256xf32> to vector<256xf32>
    %swap3A_502 = arith.constant 231 : index
    %swap3A_503 = arith.constant 0 : index
    %swap3A_504 = vector.load %arg18[%swap3A_502, %swap3A_503] : memref<352x256xf32, #tpu.memory_space<vmem>>, vector<1x256xf32>
    %swap3A_505 = vector.shape_cast %swap3A_504 : vector<1x256xf32> to vector<256xf32>
    %swap3A_506 = vector.shape_cast %squeeze3A_501 : vector<256xf32> to vector<1x256xf32>
    tpu.vector_store %arg18[%swap3A_502, %swap3A_503], %swap3A_506 {strides = array<i32>} : memref<352x256xf32, #tpu.memory_space<vmem>>, vector<1x256xf32>,
    %slice3A_507 = vector.extract_strided_slice %reduce_sum3A_354 {offsets = [22, 0], sizes = [1, 256], strides = [1, 1]} : vector<26x256xf32> to vector<1x256xf32>
    %squeeze3A_508 = vector.shape_cast %slice3A_507 : vector<1x256xf32> to vector<256xf32>
    %swap3A_509 = arith.constant 253 : index
    %swap3A_510 = arith.constant 0 : index
    %swap3A_511 = vector.load %arg18[%swap3A_509, %swap3A_510] : memref<352x256xf32, #tpu.memory_space<vmem>>, vector<1x256xf32>
    %swap3A_512 = vector.shape_cast %swap3A_511 : vector<1x256xf32> to vector<256xf32>
    %swap3A_513 = vector.shape_cast %squeeze3A_508 : vector<256xf32> to vector<1x256xf32>
    tpu.vector_store %arg18[%swap3A_509, %swap3A_510], %swap3A_513 {strides = array<i32>} : memref<352x256xf32, #tpu.memory_space<vmem>>, vector<1x256xf32>,
    %slice3A_514 = vector.extract_strided_slice %reduce_sum3A_354 {offsets = [23, 0], sizes = [1, 256], strides = [1, 1]} : vector<26x256xf32> to vector<1x256xf32>
    %squeeze3A_515 = vector.shape_cast %slice3A_514 : vector<1x256xf32> to vector<256xf32>
    %swap3A_516 = arith.constant 276 : index
    %swap3A_517 = arith.constant 0 : index
    %swap3A_518 = vector.load %arg18[%swap3A_516, %swap3A_517] : memref<352x256xf32, #tpu.memory_space<vmem>>, vector<1x256xf32>
    %swap3A_519 = vector.shape_cast %swap3A_518 : vector<1x256xf32> to vector<256xf32>
    %swap3A_520 = vector.shape_cast %squeeze3A_515 : vector<256xf32> to vector<1x256xf32>
    tpu.vector_store %arg18[%swap3A_516, %swap3A_517], %swap3A_520 {strides = array<i32>} : memref<352x256xf32, #tpu.memory_space<vmem>>, vector<1x256xf32>,
    %slice3A_521 = vector.extract_strided_slice %reduce_sum3A_354 {offsets = [24, 0], sizes = [1, 256], strides = [1, 1]} : vector<26x256xf32> to vector<1x256xf32>
    %squeeze3A_522 = vector.shape_cast %slice3A_521 : vector<1x256xf32> to vector<256xf32>
    %swap3A_523 = arith.constant 300 : index
    %swap3A_524 = arith.constant 0 : index
    %swap3A_525 = vector.load %arg18[%swap3A_523, %swap3A_524] : memref<352x256xf32, #tpu.memory_space<vmem>>, vector<1x256xf32>
    %swap3A_526 = vector.shape_cast %swap3A_525 : vector<1x256xf32> to vector<256xf32>
    %swap3A_527 = vector.shape_cast %squeeze3A_522 : vector<256xf32> to vector<1x256xf32>
    tpu.vector_store %arg18[%swap3A_523, %swap3A_524], %swap3A_527 {strides = array<i32>} : memref<352x256xf32, #tpu.memory_space<vmem>>, vector<1x256xf32>,
    %slice3A_528 = vector.extract_strided_slice %reduce_sum3A_354 {offsets = [25, 0], sizes = [1, 256], strides = [1, 1]} : vector<26x256xf32> to vector<1x256xf32>
    %squeeze3A_529 = vector.shape_cast %slice3A_528 : vector<1x256xf32> to vector<256xf32>
    %swap3A_530 = arith.constant 325 : index
    %swap3A_531 = arith.constant 0 : index
    %swap3A_532 = vector.load %arg18[%swap3A_530, %swap3A_531] : memref<352x256xf32, #tpu.memory_space<vmem>>, vector<1x256xf32>
    %swap3A_533 = vector.shape_cast %swap3A_532 : vector<1x256xf32> to vector<256xf32>
    %swap3A_534 = vector.shape_cast %squeeze3A_529 : vector<256xf32> to vector<1x256xf32>
    tpu.vector_store %arg18[%swap3A_530, %swap3A_531], %swap3A_534 {strides = array<i32>} : memref<352x256xf32, #tpu.memory_space<vmem>>, vector<1x256xf32>,
    %get3A_535 = arith.constant 0 : index
    %get3A_536 = arith.constant 0 : index
    %get3A_537 = arith.constant 0 : index
    %get3A_538 = vector.load %arg17[%get3A_535, %get3A_536, %get3A_537] : memref<26x64x256xf32, #tpu.memory_space<vmem>>, vector<1x64x256xf32>
    %get3A_539 = arith.constant 1 : index
    %get3A_540 = arith.constant 0 : index
    %get3A_541 = arith.constant 0 : index
    %get3A_542 = vector.load %arg17[%get3A_539, %get3A_540, %get3A_541] : memref<26x64x256xf32, #tpu.memory_space<vmem>>, vector<1x64x256xf32>
    %get3A_543 = vector.shape_cast %get3A_542 : vector<1x64x256xf32> to vector<64x256xf32>
    %broadcast_in_dim3A_544 = vector.shape_cast %get3A_543 : vector<64x256xf32> to vector<1x64x256xf32>
    %mul3A_545 = arith.mulf %get3A_538, %broadcast_in_dim3A_544 : vector<1x64x256xf32>
    %reduce_sum3A_546 = arith.constant dense<0.000000e+00> : vector<1x256xf32>
    %reduce_sum3A_547 = vector.multi_reduction <add>, %mul3A_545, %reduce_sum3A_546 [1] : vector<1x64x256xf32> to vector<1x256xf32>
    %swap3A_548 = arith.constant 2 : index
    %swap3A_549 = arith.constant 0 : index
    %swap3A_550 = vector.load %arg18[%swap3A_548, %swap3A_549] : memref<352x256xf32, #tpu.memory_space<vmem>>, vector<1x256xf32>
    tpu.vector_store %arg18[%swap3A_548, %swap3A_549], %reduce_sum3A_547 {strides = array<i32>} : memref<352x256xf32, #tpu.memory_space<vmem>>, vector<1x256xf32>,
    %get3A_551 = arith.constant 0 : index
    %get3A_552 = arith.constant 0 : index
    %get3A_553 = arith.constant 0 : index
    %get3A_554 = vector.load %arg17[%get3A_551, %get3A_552, %get3A_553] : memref<26x64x256xf32, #tpu.memory_space<vmem>>, vector<2x64x256xf32>
    %get3A_555 = arith.constant 2 : index
    %get3A_556 = arith.constant 0 : index
    %get3A_557 = arith.constant 0 : index
    %get3A_558 = vector.load %arg17[%get3A_555, %get3A_556, %get3A_557] : memref<26x64x256xf32, #tpu.memory_space<vmem>>, vector<1x64x256xf32>
    %get3A_559 = vector.shape_cast %get3A_558 : vector<1x64x256xf32> to vector<64x256xf32>
    %broadcast_in_dim3A_560 = vector.shape_cast %get3A_559 : vector<64x256xf32> to vector<1x64x256xf32>
    %mul3A_561 = vector.broadcast %broadcast_in_dim3A_560 : vector<1x64x256xf32> to vector<2x64x256xf32>
    %mul3A_562 = arith.mulf %get3A_554, %mul3A_561 : vector<2x64x256xf32>
    %reduce_sum3A_563 = arith.constant dense<0.000000e+00> : vector<2x256xf32>
    %reduce_sum3A_564 = vector.multi_reduction <add>, %mul3A_562, %reduce_sum3A_563 [1] : vector<2x64x256xf32> to vector<2x256xf32>
    %swap3A_565 = arith.constant 4 : index
    %swap3A_566 = arith.constant 0 : index
    %swap3A_567 = vector.load %arg18[%swap3A_565, %swap3A_566] : memref<352x256xf32, #tpu.memory_space<vmem>>, vector<2x256xf32>
    tpu.vector_store %arg18[%swap3A_565, %swap3A_566], %reduce_sum3A_564 {strides = array<i32>} : memref<352x256xf32, #tpu.memory_space<vmem>>, vector<2x256xf32>,
    %get3A_568 = arith.constant 0 : index
    %get3A_569 = arith.constant 0 : index
    %get3A_570 = arith.constant 0 : index
    %get3A_571 = vector.load %arg17[%get3A_568, %get3A_569, %get3A_570] : memref<26x64x256xf32, #tpu.memory_space<vmem>>, vector<3x64x256xf32>
    %get3A_572 = arith.constant 3 : index
    %get3A_573 = arith.constant 0 : index
    %get3A_574 = arith.constant 0 : index
    %get3A_575 = vector.load %arg17[%get3A_572, %get3A_573, %get3A_574] : memref<26x64x256xf32, #tpu.memory_space<vmem>>, vector<1x64x256xf32>
    %get3A_576 = vector.shape_cast %get3A_575 : vector<1x64x256xf32> to vector<64x256xf32>
    %broadcast_in_dim3A_577 = vector.shape_cast %get3A_576 : vector<64x256xf32> to vector<1x64x256xf32>
    %mul3A_578 = vector.broadcast %broadcast_in_dim3A_577 : vector<1x64x256xf32> to vector<3x64x256xf32>
    %mul3A_579 = arith.mulf %get3A_571, %mul3A_578 : vector<3x64x256xf32>
    %reduce_sum3A_580 = arith.constant dense<0.000000e+00> : vector<3x256xf32>
    %reduce_sum3A_581 = vector.multi_reduction <add>, %mul3A_579, %reduce_sum3A_580 [1] : vector<3x64x256xf32> to vector<3x256xf32>
    %swap3A_582 = arith.constant 7 : index
    %swap3A_583 = arith.constant 0 : index
    %swap3A_584 = vector.load %arg18[%swap3A_582, %swap3A_583] : memref<352x256xf32, #tpu.memory_space<vmem>>, vector<3x256xf32>
    tpu.vector_store %arg18[%swap3A_582, %swap3A_583], %reduce_sum3A_581 {strides = array<i32>} : memref<352x256xf32, #tpu.memory_space<vmem>>, vector<3x256xf32>,
    %get3A_585 = arith.constant 0 : index
    %get3A_586 = arith.constant 0 : index
    %get3A_587 = arith.constant 0 : index
    %get3A_588 = vector.load %arg17[%get3A_585, %get3A_586, %get3A_587] : memref<26x64x256xf32, #tpu.memory_space<vmem>>, vector<4x64x256xf32>
    %get3A_589 = arith.constant 4 : index
    %get3A_590 = arith.constant 0 : index
    %get3A_591 = arith.constant 0 : index
    %get3A_592 = vector.load %arg17[%get3A_589, %get3A_590, %get3A_591] : memref<26x64x256xf32, #tpu.memory_space<vmem>>, vector<1x64x256xf32>
    %get3A_593 = vector.shape_cast %get3A_592 : vector<1x64x256xf32> to vector<64x256xf32>
    %broadcast_in_dim3A_594 = vector.shape_cast %get3A_593 : vector<64x256xf32> to vector<1x64x256xf32>
    %mul3A_595 = vector.broadcast %broadcast_in_dim3A_594 : vector<1x64x256xf32> to vector<4x64x256xf32>
    %mul3A_596 = arith.mulf %get3A_588, %mul3A_595 : vector<4x64x256xf32>
    %reduce_sum3A_597 = arith.constant dense<0.000000e+00> : vector<4x256xf32>
    %reduce_sum3A_598 = vector.multi_reduction <add>, %mul3A_596, %reduce_sum3A_597 [1] : vector<4x64x256xf32> to vector<4x256xf32>
    %swap3A_599 = arith.constant 11 : index
    %swap3A_600 = arith.constant 0 : index
    %swap3A_601 = vector.load %arg18[%swap3A_599, %swap3A_600] : memref<352x256xf32, #tpu.memory_space<vmem>>, vector<4x256xf32>
    tpu.vector_store %arg18[%swap3A_599, %swap3A_600], %reduce_sum3A_598 {strides = array<i32>} : memref<352x256xf32, #tpu.memory_space<vmem>>, vector<4x256xf32>,
    %get3A_602 = arith.constant 0 : index
    %get3A_603 = arith.constant 0 : index
    %get3A_604 = arith.constant 0 : index
    %get3A_605 = vector.load %arg17[%get3A_602, %get3A_603, %get3A_604] : memref<26x64x256xf32, #tpu.memory_space<vmem>>, vector<5x64x256xf32>
    %get3A_606 = arith.constant 5 : index
    %get3A_607 = arith.constant 0 : index
    %get3A_608 = arith.constant 0 : index
    %get3A_609 = vector.load %arg17[%get3A_606, %get3A_607, %get3A_608] : memref<26x64x256xf32, #tpu.memory_space<vmem>>, vector<1x64x256xf32>
    %get3A_610 = vector.shape_cast %get3A_609 : vector<1x64x256xf32> to vector<64x256xf32>
    %broadcast_in_dim3A_611 = vector.shape_cast %get3A_610 : vector<64x256xf32> to vector<1x64x256xf32>
    %mul3A_612 = vector.broadcast %broadcast_in_dim3A_611 : vector<1x64x256xf32> to vector<5x64x256xf32>
    %mul3A_613 = arith.mulf %get3A_605, %mul3A_612 : vector<5x64x256xf32>
    %reduce_sum3A_614 = arith.constant dense<0.000000e+00> : vector<5x256xf32>
    %reduce_sum3A_615 = vector.multi_reduction <add>, %mul3A_613, %reduce_sum3A_614 [1] : vector<5x64x256xf32> to vector<5x256xf32>
    %swap3A_616 = arith.constant 16 : index
    %swap3A_617 = arith.constant 0 : index
    %swap3A_618 = vector.load %arg18[%swap3A_616, %swap3A_617] : memref<352x256xf32, #tpu.memory_space<vmem>>, vector<5x256xf32>
    tpu.vector_store %arg18[%swap3A_616, %swap3A_617], %reduce_sum3A_615 {strides = array<i32>} : memref<352x256xf32, #tpu.memory_space<vmem>>, vector<5x256xf32>,
    %get3A_619 = arith.constant 0 : index
    %get3A_620 = arith.constant 0 : index
    %get3A_621 = arith.constant 0 : index
    %get3A_622 = vector.load %arg17[%get3A_619, %get3A_620, %get3A_621] : memref<26x64x256xf32, #tpu.memory_space<vmem>>, vector<6x64x256xf32>
    %get3A_623 = arith.constant 6 : index
    %get3A_624 = arith.constant 0 : index
    %get3A_625 = arith.constant 0 : index
    %get3A_626 = vector.load %arg17[%get3A_623, %get3A_624, %get3A_625] : memref<26x64x256xf32, #tpu.memory_space<vmem>>, vector<1x64x256xf32>
    %get3A_627 = vector.shape_cast %get3A_626 : vector<1x64x256xf32> to vector<64x256xf32>
    %broadcast_in_dim3A_628 = vector.shape_cast %get3A_627 : vector<64x256xf32> to vector<1x64x256xf32>
    %mul3A_629 = vector.broadcast %broadcast_in_dim3A_628 : vector<1x64x256xf32> to vector<6x64x256xf32>
    %mul3A_630 = arith.mulf %get3A_622, %mul3A_629 : vector<6x64x256xf32>
    %reduce_sum3A_631 = arith.constant dense<0.000000e+00> : vector<6x256xf32>
    %reduce_sum3A_632 = vector.multi_reduction <add>, %mul3A_630, %reduce_sum3A_631 [1] : vector<6x64x256xf32> to vector<6x256xf32>
    %swap3A_633 = arith.constant 22 : index
    %swap3A_634 = arith.constant 0 : index
    %swap3A_635 = vector.load %arg18[%swap3A_633, %swap3A_634] : memref<352x256xf32, #tpu.memory_space<vmem>>, vector<6x256xf32>
    tpu.vector_store %arg18[%swap3A_633, %swap3A_634], %reduce_sum3A_632 {strides = array<i32>} : memref<352x256xf32, #tpu.memory_space<vmem>>, vector<6x256xf32>,
    %get3A_636 = arith.constant 0 : index
    %get3A_637 = arith.constant 0 : index
    %get3A_638 = arith.constant 0 : index
    %get3A_639 = vector.load %arg17[%get3A_636, %get3A_637, %get3A_638] : memref<26x64x256xf32, #tpu.memory_space<vmem>>, vector<7x64x256xf32>
    %get3A_640 = arith.constant 7 : index
    %get3A_641 = arith.constant 0 : index
    %get3A_642 = arith.constant 0 : index
    %get3A_643 = vector.load %arg17[%get3A_640, %get3A_641, %get3A_642] : memref<26x64x256xf32, #tpu.memory_space<vmem>>, vector<1x64x256xf32>
    %get3A_644 = vector.shape_cast %get3A_643 : vector<1x64x256xf32> to vector<64x256xf32>
    %broadcast_in_dim3A_645 = vector.shape_cast %get3A_644 : vector<64x256xf32> to vector<1x64x256xf32>
    %mul3A_646 = vector.broadcast %broadcast_in_dim3A_645 : vector<1x64x256xf32> to vector<7x64x256xf32>
    %mul3A_647 = arith.mulf %get3A_639, %mul3A_646 : vector<7x64x256xf32>
    %reduce_sum3A_648 = arith.constant dense<0.000000e+00> : vector<7x256xf32>
    %reduce_sum3A_649 = vector.multi_reduction <add>, %mul3A_647, %reduce_sum3A_648 [1] : vector<7x64x256xf32> to vector<7x256xf32>
    %swap3A_650 = arith.constant 29 : index
    %swap3A_651 = arith.constant 0 : index
    %swap3A_652 = vector.load %arg18[%swap3A_650, %swap3A_651] : memref<352x256xf32, #tpu.memory_space<vmem>>, vector<7x256xf32>
    tpu.vector_store %arg18[%swap3A_650, %swap3A_651], %reduce_sum3A_649 {strides = array<i32>} : memref<352x256xf32, #tpu.memory_space<vmem>>, vector<7x256xf32>,
    %get3A_653 = arith.constant 0 : index
    %get3A_654 = arith.constant 0 : index
    %get3A_655 = arith.constant 0 : index
    %get3A_656 = vector.load %arg17[%get3A_653, %get3A_654, %get3A_655] : memref<26x64x256xf32, #tpu.memory_space<vmem>>, vector<8x64x256xf32>
    %get3A_657 = arith.constant 8 : index
    %get3A_658 = arith.constant 0 : index
    %get3A_659 = arith.constant 0 : index
    %get3A_660 = vector.load %arg17[%get3A_657, %get3A_658, %get3A_659] : memref<26x64x256xf32, #tpu.memory_space<vmem>>, vector<1x64x256xf32>
    %get3A_661 = vector.shape_cast %get3A_660 : vector<1x64x256xf32> to vector<64x256xf32>
    %broadcast_in_dim3A_662 = vector.shape_cast %get3A_661 : vector<64x256xf32> to vector<1x64x256xf32>
    %mul3A_663 = vector.broadcast %broadcast_in_dim3A_662 : vector<1x64x256xf32> to vector<8x64x256xf32>
    %mul3A_664 = arith.mulf %get3A_656, %mul3A_663 : vector<8x64x256xf32>
    %reduce_sum3A_665 = arith.constant dense<0.000000e+00> : vector<8x256xf32>
    %reduce_sum3A_666 = vector.multi_reduction <add>, %mul3A_664, %reduce_sum3A_665 [1] : vector<8x64x256xf32> to vector<8x256xf32>
    %swap3A_667 = arith.constant 37 : index
    %swap3A_668 = arith.constant 0 : index
    %swap3A_669 = vector.load %arg18[%swap3A_667, %swap3A_668] : memref<352x256xf32, #tpu.memory_space<vmem>>, vector<8x256xf32>
    tpu.vector_store %arg18[%swap3A_667, %swap3A_668], %reduce_sum3A_666 {strides = array<i32>} : memref<352x256xf32, #tpu.memory_space<vmem>>, vector<8x256xf32>,
    %get3A_670 = arith.constant 0 : index
    %get3A_671 = arith.constant 0 : index
    %get3A_672 = arith.constant 0 : index
    %get3A_673 = vector.load %arg17[%get3A_670, %get3A_671, %get3A_672] : memref<26x64x256xf32, #tpu.memory_space<vmem>>, vector<9x64x256xf32>
    %get3A_674 = arith.constant 9 : index
    %get3A_675 = arith.constant 0 : index
    %get3A_676 = arith.constant 0 : index
    %get3A_677 = vector.load %arg17[%get3A_674, %get3A_675, %get3A_676] : memref<26x64x256xf32, #tpu.memory_space<vmem>>, vector<1x64x256xf32>
    %get3A_678 = vector.shape_cast %get3A_677 : vector<1x64x256xf32> to vector<64x256xf32>
    %broadcast_in_dim3A_679 = vector.shape_cast %get3A_678 : vector<64x256xf32> to vector<1x64x256xf32>
    %mul3A_680 = vector.broadcast %broadcast_in_dim3A_679 : vector<1x64x256xf32> to vector<9x64x256xf32>
    %mul3A_681 = arith.mulf %get3A_673, %mul3A_680 : vector<9x64x256xf32>
    %reduce_sum3A_682 = arith.constant dense<0.000000e+00> : vector<9x256xf32>
    %reduce_sum3A_683 = vector.multi_reduction <add>, %mul3A_681, %reduce_sum3A_682 [1] : vector<9x64x256xf32> to vector<9x256xf32>
    %swap3A_684 = arith.constant 46 : index
    %swap3A_685 = arith.constant 0 : index
    %swap3A_686 = vector.load %arg18[%swap3A_684, %swap3A_685] : memref<352x256xf32, #tpu.memory_space<vmem>>, vector<9x256xf32>
    tpu.vector_store %arg18[%swap3A_684, %swap3A_685], %reduce_sum3A_683 {strides = array<i32>} : memref<352x256xf32, #tpu.memory_space<vmem>>, vector<9x256xf32>,
    %get3A_687 = arith.constant 0 : index
    %get3A_688 = arith.constant 0 : index
    %get3A_689 = arith.constant 0 : index
    %get3A_690 = vector.load %arg17[%get3A_687, %get3A_688, %get3A_689] : memref<26x64x256xf32, #tpu.memory_space<vmem>>, vector<10x64x256xf32>
    %get3A_691 = arith.constant 10 : index
    %get3A_692 = arith.constant 0 : index
    %get3A_693 = arith.constant 0 : index
    %get3A_694 = vector.load %arg17[%get3A_691, %get3A_692, %get3A_693] : memref<26x64x256xf32, #tpu.memory_space<vmem>>, vector<1x64x256xf32>
    %get3A_695 = vector.shape_cast %get3A_694 : vector<1x64x256xf32> to vector<64x256xf32>
    %broadcast_in_dim3A_696 = vector.shape_cast %get3A_695 : vector<64x256xf32> to vector<1x64x256xf32>
    %mul3A_697 = vector.broadcast %broadcast_in_dim3A_696 : vector<1x64x256xf32> to vector<10x64x256xf32>
    %mul3A_698 = arith.mulf %get3A_690, %mul3A_697 : vector<10x64x256xf32>
    %reduce_sum3A_699 = arith.constant dense<0.000000e+00> : vector<10x256xf32>
    %reduce_sum3A_700 = vector.multi_reduction <add>, %mul3A_698, %reduce_sum3A_699 [1] : vector<10x64x256xf32> to vector<10x256xf32>
    %swap3A_701 = arith.constant 56 : index
    %swap3A_702 = arith.constant 0 : index
    %swap3A_703 = vector.load %arg18[%swap3A_701, %swap3A_702] : memref<352x256xf32, #tpu.memory_space<vmem>>, vector<10x256xf32>
    tpu.vector_store %arg18[%swap3A_701, %swap3A_702], %reduce_sum3A_700 {strides = array<i32>} : memref<352x256xf32, #tpu.memory_space<vmem>>, vector<10x256xf32>,
    %get3A_704 = arith.constant 0 : index
    %get3A_705 = arith.constant 0 : index
    %get3A_706 = arith.constant 0 : index
    %get3A_707 = vector.load %arg17[%get3A_704, %get3A_705, %get3A_706] : memref<26x64x256xf32, #tpu.memory_space<vmem>>, vector<11x64x256xf32>
    %get3A_708 = arith.constant 11 : index
    %get3A_709 = arith.constant 0 : index
    %get3A_710 = arith.constant 0 : index
    %get3A_711 = vector.load %arg17[%get3A_708, %get3A_709, %get3A_710] : memref<26x64x256xf32, #tpu.memory_space<vmem>>, vector<1x64x256xf32>
    %get3A_712 = vector.shape_cast %get3A_711 : vector<1x64x256xf32> to vector<64x256xf32>
    %broadcast_in_dim3A_713 = vector.shape_cast %get3A_712 : vector<64x256xf32> to vector<1x64x256xf32>
    %mul3A_714 = vector.broadcast %broadcast_in_dim3A_713 : vector<1x64x256xf32> to vector<11x64x256xf32>
    %mul3A_715 = arith.mulf %get3A_707, %mul3A_714 : vector<11x64x256xf32>
    %reduce_sum3A_716 = arith.constant dense<0.000000e+00> : vector<11x256xf32>
    %reduce_sum3A_717 = vector.multi_reduction <add>, %mul3A_715, %reduce_sum3A_716 [1] : vector<11x64x256xf32> to vector<11x256xf32>
    %swap3A_718 = arith.constant 67 : index
    %swap3A_719 = arith.constant 0 : index
    %swap3A_720 = vector.load %arg18[%swap3A_718, %swap3A_719] : memref<352x256xf32, #tpu.memory_space<vmem>>, vector<11x256xf32>
    tpu.vector_store %arg18[%swap3A_718, %swap3A_719], %reduce_sum3A_717 {strides = array<i32>} : memref<352x256xf32, #tpu.memory_space<vmem>>, vector<11x256xf32>,
    %get3A_721 = arith.constant 0 : index
    %get3A_722 = arith.constant 0 : index
    %get3A_723 = arith.constant 0 : index
    %get3A_724 = vector.load %arg17[%get3A_721, %get3A_722, %get3A_723] : memref<26x64x256xf32, #tpu.memory_space<vmem>>, vector<12x64x256xf32>
    %get3A_725 = arith.constant 12 : index
    %get3A_726 = arith.constant 0 : index
    %get3A_727 = arith.constant 0 : index
    %get3A_728 = vector.load %arg17[%get3A_725, %get3A_726, %get3A_727] : memref<26x64x256xf32, #tpu.memory_space<vmem>>, vector<1x64x256xf32>
    %get3A_729 = vector.shape_cast %get3A_728 : vector<1x64x256xf32> to vector<64x256xf32>
    %broadcast_in_dim3A_730 = vector.shape_cast %get3A_729 : vector<64x256xf32> to vector<1x64x256xf32>
    %mul3A_731 = vector.broadcast %broadcast_in_dim3A_730 : vector<1x64x256xf32> to vector<12x64x256xf32>
    %mul3A_732 = arith.mulf %get3A_724, %mul3A_731 : vector<12x64x256xf32>
    %reduce_sum3A_733 = arith.constant dense<0.000000e+00> : vector<12x256xf32>
    %reduce_sum3A_734 = vector.multi_reduction <add>, %mul3A_732, %reduce_sum3A_733 [1] : vector<12x64x256xf32> to vector<12x256xf32>
    %swap3A_735 = arith.constant 79 : index
    %swap3A_736 = arith.constant 0 : index
    %swap3A_737 = vector.load %arg18[%swap3A_735, %swap3A_736] : memref<352x256xf32, #tpu.memory_space<vmem>>, vector<12x256xf32>
    tpu.vector_store %arg18[%swap3A_735, %swap3A_736], %reduce_sum3A_734 {strides = array<i32>} : memref<352x256xf32, #tpu.memory_space<vmem>>, vector<12x256xf32>,
    %get3A_738 = arith.constant 0 : index
    %get3A_739 = arith.constant 0 : index
    %get3A_740 = arith.constant 0 : index
    %get3A_741 = vector.load %arg17[%get3A_738, %get3A_739, %get3A_740] : memref<26x64x256xf32, #tpu.memory_space<vmem>>, vector<13x64x256xf32>
    %get3A_742 = arith.constant 13 : index
    %get3A_743 = arith.constant 0 : index
    %get3A_744 = arith.constant 0 : index
    %get3A_745 = vector.load %arg17[%get3A_742, %get3A_743, %get3A_744] : memref<26x64x256xf32, #tpu.memory_space<vmem>>, vector<1x64x256xf32>
    %get3A_746 = vector.shape_cast %get3A_745 : vector<1x64x256xf32> to vector<64x256xf32>
    %broadcast_in_dim3A_747 = vector.shape_cast %get3A_746 : vector<64x256xf32> to vector<1x64x256xf32>
    %mul3A_748 = vector.broadcast %broadcast_in_dim3A_747 : vector<1x64x256xf32> to vector<13x64x256xf32>
    %mul3A_749 = arith.mulf %get3A_741, %mul3A_748 : vector<13x64x256xf32>
    %reduce_sum3A_750 = arith.constant dense<0.000000e+00> : vector<13x256xf32>
    %reduce_sum3A_751 = vector.multi_reduction <add>, %mul3A_749, %reduce_sum3A_750 [1] : vector<13x64x256xf32> to vector<13x256xf32>
    %swap3A_752 = arith.constant 92 : index
    %swap3A_753 = arith.constant 0 : index
    %swap3A_754 = vector.load %arg18[%swap3A_752, %swap3A_753] : memref<352x256xf32, #tpu.memory_space<vmem>>, vector<13x256xf32>
    tpu.vector_store %arg18[%swap3A_752, %swap3A_753], %reduce_sum3A_751 {strides = array<i32>} : memref<352x256xf32, #tpu.memory_space<vmem>>, vector<13x256xf32>,
    %get3A_755 = arith.constant 0 : index
    %get3A_756 = arith.constant 0 : index
    %get3A_757 = arith.constant 0 : index
    %get3A_758 = vector.load %arg17[%get3A_755, %get3A_756, %get3A_757] : memref<26x64x256xf32, #tpu.memory_space<vmem>>, vector<14x64x256xf32>
    %get3A_759 = arith.constant 14 : index
    %get3A_760 = arith.constant 0 : index
    %get3A_761 = arith.constant 0 : index
    %get3A_762 = vector.load %arg17[%get3A_759, %get3A_760, %get3A_761] : memref<26x64x256xf32, #tpu.memory_space<vmem>>, vector<1x64x256xf32>
    %get3A_763 = vector.shape_cast %get3A_762 : vector<1x64x256xf32> to vector<64x256xf32>
    %broadcast_in_dim3A_764 = vector.shape_cast %get3A_763 : vector<64x256xf32> to vector<1x64x256xf32>
    %mul3A_765 = vector.broadcast %broadcast_in_dim3A_764 : vector<1x64x256xf32> to vector<14x64x256xf32>
    %mul3A_766 = arith.mulf %get3A_758, %mul3A_765 : vector<14x64x256xf32>
    %reduce_sum3A_767 = arith.constant dense<0.000000e+00> : vector<14x256xf32>
    %reduce_sum3A_768 = vector.multi_reduction <add>, %mul3A_766, %reduce_sum3A_767 [1] : vector<14x64x256xf32> to vector<14x256xf32>
    %swap3A_769 = arith.constant 106 : index
    %swap3A_770 = arith.constant 0 : index
    %swap3A_771 = vector.load %arg18[%swap3A_769, %swap3A_770] : memref<352x256xf32, #tpu.memory_space<vmem>>, vector<14x256xf32>
    tpu.vector_store %arg18[%swap3A_769, %swap3A_770], %reduce_sum3A_768 {strides = array<i32>} : memref<352x256xf32, #tpu.memory_space<vmem>>, vector<14x256xf32>,
    %get3A_772 = arith.constant 0 : index
    %get3A_773 = arith.constant 0 : index
    %get3A_774 = arith.constant 0 : index
    %get3A_775 = vector.load %arg17[%get3A_772, %get3A_773, %get3A_774] : memref<26x64x256xf32, #tpu.memory_space<vmem>>, vector<15x64x256xf32>
    %get3A_776 = arith.constant 15 : index
    %get3A_777 = arith.constant 0 : index
    %get3A_778 = arith.constant 0 : index
    %get3A_779 = vector.load %arg17[%get3A_776, %get3A_777, %get3A_778] : memref<26x64x256xf32, #tpu.memory_space<vmem>>, vector<1x64x256xf32>
    %get3A_780 = vector.shape_cast %get3A_779 : vector<1x64x256xf32> to vector<64x256xf32>
    %broadcast_in_dim3A_781 = vector.shape_cast %get3A_780 : vector<64x256xf32> to vector<1x64x256xf32>
    %mul3A_782 = vector.broadcast %broadcast_in_dim3A_781 : vector<1x64x256xf32> to vector<15x64x256xf32>
    %mul3A_783 = arith.mulf %get3A_775, %mul3A_782 : vector<15x64x256xf32>
    %reduce_sum3A_784 = arith.constant dense<0.000000e+00> : vector<15x256xf32>
    %reduce_sum3A_785 = vector.multi_reduction <add>, %mul3A_783, %reduce_sum3A_784 [1] : vector<15x64x256xf32> to vector<15x256xf32>
    %swap3A_786 = arith.constant 121 : index
    %swap3A_787 = arith.constant 0 : index
    %swap3A_788 = vector.load %arg18[%swap3A_786, %swap3A_787] : memref<352x256xf32, #tpu.memory_space<vmem>>, vector<15x256xf32>
    tpu.vector_store %arg18[%swap3A_786, %swap3A_787], %reduce_sum3A_785 {strides = array<i32>} : memref<352x256xf32, #tpu.memory_space<vmem>>, vector<15x256xf32>,
    %get3A_789 = arith.constant 0 : index
    %get3A_790 = arith.constant 0 : index
    %get3A_791 = arith.constant 0 : index
    %get3A_792 = vector.load %arg17[%get3A_789, %get3A_790, %get3A_791] : memref<26x64x256xf32, #tpu.memory_space<vmem>>, vector<16x64x256xf32>
    %get3A_793 = arith.constant 16 : index
    %get3A_794 = arith.constant 0 : index
    %get3A_795 = arith.constant 0 : index
    %get3A_796 = vector.load %arg17[%get3A_793, %get3A_794, %get3A_795] : memref<26x64x256xf32, #tpu.memory_space<vmem>>, vector<1x64x256xf32>
    %get3A_797 = vector.shape_cast %get3A_796 : vector<1x64x256xf32> to vector<64x256xf32>
    %broadcast_in_dim3A_798 = vector.shape_cast %get3A_797 : vector<64x256xf32> to vector<1x64x256xf32>
    %mul3A_799 = vector.broadcast %broadcast_in_dim3A_798 : vector<1x64x256xf32> to vector<16x64x256xf32>
    %mul3A_800 = arith.mulf %get3A_792, %mul3A_799 : vector<16x64x256xf32>
    %reduce_sum3A_801 = arith.constant dense<0.000000e+00> : vector<16x256xf32>
    %reduce_sum3A_802 = vector.multi_reduction <add>, %mul3A_800, %reduce_sum3A_801 [1] : vector<16x64x256xf32> to vector<16x256xf32>
    %swap3A_803 = arith.constant 137 : index
    %swap3A_804 = arith.constant 0 : index
    %swap3A_805 = vector.load %arg18[%swap3A_803, %swap3A_804] : memref<352x256xf32, #tpu.memory_space<vmem>>, vector<16x256xf32>
    tpu.vector_store %arg18[%swap3A_803, %swap3A_804], %reduce_sum3A_802 {strides = array<i32>} : memref<352x256xf32, #tpu.memory_space<vmem>>, vector<16x256xf32>,
    %get3A_806 = arith.constant 0 : index
    %get3A_807 = arith.constant 0 : index
    %get3A_808 = arith.constant 0 : index
    %get3A_809 = vector.load %arg17[%get3A_806, %get3A_807, %get3A_808] : memref<26x64x256xf32, #tpu.memory_space<vmem>>, vector<17x64x256xf32>
    %get3A_810 = arith.constant 17 : index
    %get3A_811 = arith.constant 0 : index
    %get3A_812 = arith.constant 0 : index
    %get3A_813 = vector.load %arg17[%get3A_810, %get3A_811, %get3A_812] : memref<26x64x256xf32, #tpu.memory_space<vmem>>, vector<1x64x256xf32>
    %get3A_814 = vector.shape_cast %get3A_813 : vector<1x64x256xf32> to vector<64x256xf32>
    %broadcast_in_dim3A_815 = vector.shape_cast %get3A_814 : vector<64x256xf32> to vector<1x64x256xf32>
    %mul3A_816 = vector.broadcast %broadcast_in_dim3A_815 : vector<1x64x256xf32> to vector<17x64x256xf32>
    %mul3A_817 = arith.mulf %get3A_809, %mul3A_816 : vector<17x64x256xf32>
    %reduce_sum3A_818 = arith.constant dense<0.000000e+00> : vector<17x256xf32>
    %reduce_sum3A_819 = vector.multi_reduction <add>, %mul3A_817, %reduce_sum3A_818 [1] : vector<17x64x256xf32> to vector<17x256xf32>
    %swap3A_820 = arith.constant 154 : index
    %swap3A_821 = arith.constant 0 : index
    %swap3A_822 = vector.load %arg18[%swap3A_820, %swap3A_821] : memref<352x256xf32, #tpu.memory_space<vmem>>, vector<17x256xf32>
    tpu.vector_store %arg18[%swap3A_820, %swap3A_821], %reduce_sum3A_819 {strides = array<i32>} : memref<352x256xf32, #tpu.memory_space<vmem>>, vector<17x256xf32>,
    %get3A_823 = arith.constant 0 : index
    %get3A_824 = arith.constant 0 : index
    %get3A_825 = arith.constant 0 : index
    %get3A_826 = vector.load %arg17[%get3A_823, %get3A_824, %get3A_825] : memref<26x64x256xf32, #tpu.memory_space<vmem>>, vector<18x64x256xf32>
    %get3A_827 = arith.constant 18 : index
    %get3A_828 = arith.constant 0 : index
    %get3A_829 = arith.constant 0 : index
    %get3A_830 = vector.load %arg17[%get3A_827, %get3A_828, %get3A_829] : memref<26x64x256xf32, #tpu.memory_space<vmem>>, vector<1x64x256xf32>
    %get3A_831 = vector.shape_cast %get3A_830 : vector<1x64x256xf32> to vector<64x256xf32>
    %broadcast_in_dim3A_832 = vector.shape_cast %get3A_831 : vector<64x256xf32> to vector<1x64x256xf32>
    %mul3A_833 = vector.broadcast %broadcast_in_dim3A_832 : vector<1x64x256xf32> to vector<18x64x256xf32>
    %mul3A_834 = arith.mulf %get3A_826, %mul3A_833 : vector<18x64x256xf32>
    %reduce_sum3A_835 = arith.constant dense<0.000000e+00> : vector<18x256xf32>
    %reduce_sum3A_836 = vector.multi_reduction <add>, %mul3A_834, %reduce_sum3A_835 [1] : vector<18x64x256xf32> to vector<18x256xf32>
    %swap3A_837 = arith.constant 172 : index
    %swap3A_838 = arith.constant 0 : index
    %swap3A_839 = vector.load %arg18[%swap3A_837, %swap3A_838] : memref<352x256xf32, #tpu.memory_space<vmem>>, vector<18x256xf32>
    tpu.vector_store %arg18[%swap3A_837, %swap3A_838], %reduce_sum3A_836 {strides = array<i32>} : memref<352x256xf32, #tpu.memory_space<vmem>>, vector<18x256xf32>,
    %get3A_840 = arith.constant 0 : index
    %get3A_841 = arith.constant 0 : index
    %get3A_842 = arith.constant 0 : index
    %get3A_843 = vector.load %arg17[%get3A_840, %get3A_841, %get3A_842] : memref<26x64x256xf32, #tpu.memory_space<vmem>>, vector<19x64x256xf32>
    %get3A_844 = arith.constant 19 : index
    %get3A_845 = arith.constant 0 : index
    %get3A_846 = arith.constant 0 : index
    %get3A_847 = vector.load %arg17[%get3A_844, %get3A_845, %get3A_846] : memref<26x64x256xf32, #tpu.memory_space<vmem>>, vector<1x64x256xf32>
    %get3A_848 = vector.shape_cast %get3A_847 : vector<1x64x256xf32> to vector<64x256xf32>
    %broadcast_in_dim3A_849 = vector.shape_cast %get3A_848 : vector<64x256xf32> to vector<1x64x256xf32>
    %mul3A_850 = vector.broadcast %broadcast_in_dim3A_849 : vector<1x64x256xf32> to vector<19x64x256xf32>
    %mul3A_851 = arith.mulf %get3A_843, %mul3A_850 : vector<19x64x256xf32>
    %reduce_sum3A_852 = arith.constant dense<0.000000e+00> : vector<19x256xf32>
    %reduce_sum3A_853 = vector.multi_reduction <add>, %mul3A_851, %reduce_sum3A_852 [1] : vector<19x64x256xf32> to vector<19x256xf32>
    %swap3A_854 = arith.constant 191 : index
    %swap3A_855 = arith.constant 0 : index
    %swap3A_856 = vector.load %arg18[%swap3A_854, %swap3A_855] : memref<352x256xf32, #tpu.memory_space<vmem>>, vector<19x256xf32>
    tpu.vector_store %arg18[%swap3A_854, %swap3A_855], %reduce_sum3A_853 {strides = array<i32>} : memref<352x256xf32, #tpu.memory_space<vmem>>, vector<19x256xf32>,
    %get3A_857 = arith.constant 0 : index
    %get3A_858 = arith.constant 0 : index
    %get3A_859 = arith.constant 0 : index
    %get3A_860 = vector.load %arg17[%get3A_857, %get3A_858, %get3A_859] : memref<26x64x256xf32, #tpu.memory_space<vmem>>, vector<20x64x256xf32>
    %get3A_861 = arith.constant 20 : index
    %get3A_862 = arith.constant 0 : index
    %get3A_863 = arith.constant 0 : index
    %get3A_864 = vector.load %arg17[%get3A_861, %get3A_862, %get3A_863] : memref<26x64x256xf32, #tpu.memory_space<vmem>>, vector<1x64x256xf32>
    %get3A_865 = vector.shape_cast %get3A_864 : vector<1x64x256xf32> to vector<64x256xf32>
    %broadcast_in_dim3A_866 = vector.shape_cast %get3A_865 : vector<64x256xf32> to vector<1x64x256xf32>
    %mul3A_867 = vector.broadcast %broadcast_in_dim3A_866 : vector<1x64x256xf32> to vector<20x64x256xf32>
    %mul3A_868 = arith.mulf %get3A_860, %mul3A_867 : vector<20x64x256xf32>
    %reduce_sum3A_869 = arith.constant dense<0.000000e+00> : vector<20x256xf32>
    %reduce_sum3A_870 = vector.multi_reduction <add>, %mul3A_868, %reduce_sum3A_869 [1] : vector<20x64x256xf32> to vector<20x256xf32>
    %swap3A_871 = arith.constant 211 : index
    %swap3A_872 = arith.constant 0 : index
    %swap3A_873 = vector.load %arg18[%swap3A_871, %swap3A_872] : memref<352x256xf32, #tpu.memory_space<vmem>>, vector<20x256xf32>
    tpu.vector_store %arg18[%swap3A_871, %swap3A_872], %reduce_sum3A_870 {strides = array<i32>} : memref<352x256xf32, #tpu.memory_space<vmem>>, vector<20x256xf32>,
    %get3A_874 = arith.constant 0 : index
    %get3A_875 = arith.constant 0 : index
    %get3A_876 = arith.constant 0 : index
    %get3A_877 = vector.load %arg17[%get3A_874, %get3A_875, %get3A_876] : memref<26x64x256xf32, #tpu.memory_space<vmem>>, vector<21x64x256xf32>
    %get3A_878 = arith.constant 21 : index
    %get3A_879 = arith.constant 0 : index
    %get3A_880 = arith.constant 0 : index
    %get3A_881 = vector.load %arg17[%get3A_878, %get3A_879, %get3A_880] : memref<26x64x256xf32, #tpu.memory_space<vmem>>, vector<1x64x256xf32>
    %get3A_882 = vector.shape_cast %get3A_881 : vector<1x64x256xf32> to vector<64x256xf32>
    %broadcast_in_dim3A_883 = vector.shape_cast %get3A_882 : vector<64x256xf32> to vector<1x64x256xf32>
    %mul3A_884 = vector.broadcast %broadcast_in_dim3A_883 : vector<1x64x256xf32> to vector<21x64x256xf32>
    %mul3A_885 = arith.mulf %get3A_877, %mul3A_884 : vector<21x64x256xf32>
    %reduce_sum3A_886 = arith.constant dense<0.000000e+00> : vector<21x256xf32>
    %reduce_sum3A_887 = vector.multi_reduction <add>, %mul3A_885, %reduce_sum3A_886 [1] : vector<21x64x256xf32> to vector<21x256xf32>
    %swap3A_888 = arith.constant 232 : index
    %swap3A_889 = arith.constant 0 : index
    %swap3A_890 = vector.load %arg18[%swap3A_888, %swap3A_889] : memref<352x256xf32, #tpu.memory_space<vmem>>, vector<21x256xf32>
    tpu.vector_store %arg18[%swap3A_888, %swap3A_889], %reduce_sum3A_887 {strides = array<i32>} : memref<352x256xf32, #tpu.memory_space<vmem>>, vector<21x256xf32>,
    %get3A_891 = arith.constant 0 : index
    %get3A_892 = arith.constant 0 : index
    %get3A_893 = arith.constant 0 : index
    %get3A_894 = vector.load %arg17[%get3A_891, %get3A_892, %get3A_893] : memref<26x64x256xf32, #tpu.memory_space<vmem>>, vector<22x64x256xf32>
    %get3A_895 = arith.constant 22 : index
    %get3A_896 = arith.constant 0 : index
    %get3A_897 = arith.constant 0 : index
    %get3A_898 = vector.load %arg17[%get3A_895, %get3A_896, %get3A_897] : memref<26x64x256xf32, #tpu.memory_space<vmem>>, vector<1x64x256xf32>
    %get3A_899 = vector.shape_cast %get3A_898 : vector<1x64x256xf32> to vector<64x256xf32>
    %broadcast_in_dim3A_900 = vector.shape_cast %get3A_899 : vector<64x256xf32> to vector<1x64x256xf32>
    %mul3A_901 = vector.broadcast %broadcast_in_dim3A_900 : vector<1x64x256xf32> to vector<22x64x256xf32>
    %mul3A_902 = arith.mulf %get3A_894, %mul3A_901 : vector<22x64x256xf32>
    %reduce_sum3A_903 = arith.constant dense<0.000000e+00> : vector<22x256xf32>
    %reduce_sum3A_904 = vector.multi_reduction <add>, %mul3A_902, %reduce_sum3A_903 [1] : vector<22x64x256xf32> to vector<22x256xf32>
    %swap3A_905 = arith.constant 254 : index
    %swap3A_906 = arith.constant 0 : index
    %swap3A_907 = vector.load %arg18[%swap3A_905, %swap3A_906] : memref<352x256xf32, #tpu.memory_space<vmem>>, vector<22x256xf32>
    tpu.vector_store %arg18[%swap3A_905, %swap3A_906], %reduce_sum3A_904 {strides = array<i32>} : memref<352x256xf32, #tpu.memory_space<vmem>>, vector<22x256xf32>,
    %get3A_908 = arith.constant 0 : index
    %get3A_909 = arith.constant 0 : index
    %get3A_910 = arith.constant 0 : index
    %get3A_911 = vector.load %arg17[%get3A_908, %get3A_909, %get3A_910] : memref<26x64x256xf32, #tpu.memory_space<vmem>>, vector<23x64x256xf32>
    %get3A_912 = arith.constant 23 : index
    %get3A_913 = arith.constant 0 : index
    %get3A_914 = arith.constant 0 : index
    %get3A_915 = vector.load %arg17[%get3A_912, %get3A_913, %get3A_914] : memref<26x64x256xf32, #tpu.memory_space<vmem>>, vector<1x64x256xf32>
    %get3A_916 = vector.shape_cast %get3A_915 : vector<1x64x256xf32> to vector<64x256xf32>
    %broadcast_in_dim3A_917 = vector.shape_cast %get3A_916 : vector<64x256xf32> to vector<1x64x256xf32>
    %mul3A_918 = vector.broadcast %broadcast_in_dim3A_917 : vector<1x64x256xf32> to vector<23x64x256xf32>
    %mul3A_919 = arith.mulf %get3A_911, %mul3A_918 : vector<23x64x256xf32>
    %reduce_sum3A_920 = arith.constant dense<0.000000e+00> : vector<23x256xf32>
    %reduce_sum3A_921 = vector.multi_reduction <add>, %mul3A_919, %reduce_sum3A_920 [1] : vector<23x64x256xf32> to vector<23x256xf32>
    %swap3A_922 = arith.constant 277 : index
    %swap3A_923 = arith.constant 0 : index
    %swap3A_924 = vector.load %arg18[%swap3A_922, %swap3A_923] : memref<352x256xf32, #tpu.memory_space<vmem>>, vector<23x256xf32>
    tpu.vector_store %arg18[%swap3A_922, %swap3A_923], %reduce_sum3A_921 {strides = array<i32>} : memref<352x256xf32, #tpu.memory_space<vmem>>, vector<23x256xf32>,
    %get3A_925 = arith.constant 0 : index
    %get3A_926 = arith.constant 0 : index
    %get3A_927 = arith.constant 0 : index
    %get3A_928 = vector.load %arg17[%get3A_925, %get3A_926, %get3A_927] : memref<26x64x256xf32, #tpu.memory_space<vmem>>, vector<24x64x256xf32>
    %get3A_929 = arith.constant 24 : index
    %get3A_930 = arith.constant 0 : index
    %get3A_931 = arith.constant 0 : index
    %get3A_932 = vector.load %arg17[%get3A_929, %get3A_930, %get3A_931] : memref<26x64x256xf32, #tpu.memory_space<vmem>>, vector<1x64x256xf32>
    %get3A_933 = vector.shape_cast %get3A_932 : vector<1x64x256xf32> to vector<64x256xf32>
    %broadcast_in_dim3A_934 = vector.shape_cast %get3A_933 : vector<64x256xf32> to vector<1x64x256xf32>
    %mul3A_935 = vector.broadcast %broadcast_in_dim3A_934 : vector<1x64x256xf32> to vector<24x64x256xf32>
    %mul3A_936 = arith.mulf %get3A_928, %mul3A_935 : vector<24x64x256xf32>
    %reduce_sum3A_937 = arith.constant dense<0.000000e+00> : vector<24x256xf32>
    %reduce_sum3A_938 = vector.multi_reduction <add>, %mul3A_936, %reduce_sum3A_937 [1] : vector<24x64x256xf32> to vector<24x256xf32>
    %swap3A_939 = arith.constant 301 : index
    %swap3A_940 = arith.constant 0 : index
    %swap3A_941 = vector.load %arg18[%swap3A_939, %swap3A_940] : memref<352x256xf32, #tpu.memory_space<vmem>>, vector<24x256xf32>
    tpu.vector_store %arg18[%swap3A_939, %swap3A_940], %reduce_sum3A_938 {strides = array<i32>} : memref<352x256xf32, #tpu.memory_space<vmem>>, vector<24x256xf32>,
    %get3A_942 = arith.constant 0 : index
    %get3A_943 = arith.constant 0 : index
    %get3A_944 = arith.constant 0 : index
    %get3A_945 = vector.load %arg17[%get3A_942, %get3A_943, %get3A_944] : memref<26x64x256xf32, #tpu.memory_space<vmem>>, vector<25x64x256xf32>
    %get3A_946 = arith.constant 25 : index
    %get3A_947 = arith.constant 0 : index
    %get3A_948 = arith.constant 0 : index
    %get3A_949 = vector.load %arg17[%get3A_946, %get3A_947, %get3A_948] : memref<26x64x256xf32, #tpu.memory_space<vmem>>, vector<1x64x256xf32>
    %get3A_950 = vector.shape_cast %get3A_949 : vector<1x64x256xf32> to vector<64x256xf32>
    %broadcast_in_dim3A_951 = vector.shape_cast %get3A_950 : vector<64x256xf32> to vector<1x64x256xf32>
    %mul3A_952 = vector.broadcast %broadcast_in_dim3A_951 : vector<1x64x256xf32> to vector<25x64x256xf32>
    %mul3A_953 = arith.mulf %get3A_945, %mul3A_952 : vector<25x64x256xf32>
    %reduce_sum3A_954 = arith.constant dense<0.000000e+00> : vector<25x256xf32>
    %reduce_sum3A_955 = vector.multi_reduction <add>, %mul3A_953, %reduce_sum3A_954 [1] : vector<25x64x256xf32> to vector<25x256xf32>
    %swap3A_956 = arith.constant 326 : index
    %swap3A_957 = arith.constant 0 : index
    %swap3A_958 = vector.load %arg18[%swap3A_956, %swap3A_957] : memref<352x256xf32, #tpu.memory_space<vmem>>, vector<25x256xf32>
    tpu.vector_store %arg18[%swap3A_956, %swap3A_957], %reduce_sum3A_955 {strides = array<i32>} : memref<352x256xf32, #tpu.memory_space<vmem>>, vector<25x256xf32>,
    %broadcast_in_dim3A_959 = arith.constant 0.000000e+00 : f32
    %broadcast_in_dim3A_960 = vector.broadcast %broadcast_in_dim3A_959 : f32 to vector<256xf32>
    %swap3A_961 = arith.constant 351 : index
    %swap3A_962 = arith.constant 0 : index
    %swap3A_963 = vector.load %arg18[%swap3A_961, %swap3A_962] : memref<352x256xf32, #tpu.memory_space<vmem>>, vector<1x256xf32>
    %swap3A_964 = vector.shape_cast %swap3A_963 : vector<1x256xf32> to vector<256xf32>
    %swap3A_965 = vector.shape_cast %broadcast_in_dim3A_960 : vector<256xf32> to vector<1x256xf32>
    tpu.vector_store %arg18[%swap3A_961, %swap3A_962], %swap3A_965 {strides = array<i32>} : memref<352x256xf32, #tpu.memory_space<vmem>>, vector<1x256xf32>,
    %get3A_966 = arith.constant 0 : index
    %get3A_967 = arith.constant 0 : index
    %get3A_968 = vector.load %arg18[%get3A_966, %get3A_967] : memref<352x256xf32, #tpu.memory_space<vmem>>, vector<352x256xf32>
    %get3A_969 = arith.constant 0 : index
    %get3A_970 = arith.constant 0 : index
    %get3A_971 = vector.load %arg10[%get3A_969, %get3A_970] : memref<352x512xf32, #tpu.memory_space<vmem>>, vector<352x512xf32>
    %dot_general3A_972 = arith.constant dense<0.000000e+00> : vector<256x512xf32>
    %dot_general3A_973 = tpu.matmul %get3A_968, %get3A_971, %dot_general3A_972 {dimension_numbers = #tpu.dot_dimension_numbers<[0], [0], [1], [1], [0, 1, 1, 1], [], []>, transpose_lhs_hint = false} : vector<352x256xf32>, vector<352x512xf32>, vector<256x512xf32> -> vector<256x512xf32>
    %get3A_974 = arith.constant 0 : index
    %get3A_975 = arith.constant 0 : index
    %get3A_976 = vector.load %arg9[%get3A_974, %get3A_975] : memref<64x512xf32, #tpu.memory_space<vmem>>, vector<64x512xf32>
    %dot_general3A_977 = arith.constant dense<0.000000e+00> : vector<256x512xf32>
    %dot_general3A_978 = tpu.matmul %max3A_37, %get3A_976, %dot_general3A_977 {dimension_numbers = #tpu.dot_dimension_numbers<[1], [0], [0], [1], [0, 0, 1, 1], [], []>, transpose_lhs_hint = false} : vector<256x64xf32>, vector<64x512xf32>, vector<256x512xf32> -> vector<256x512xf32>
    %add3A_979 = arith.addf %dot_general3A_978, %dot_general3A_973 : vector<256x512xf32>
    %get3A_980 = arith.constant 0 : index
    %get3A_981 = arith.constant 0 : index
    %get3A_982 = vector.load %arg11[%get3A_980, %get3A_981] : memref<1x512xf32, #tpu.memory_space<vmem>>, vector<1x512xf32>
    %add3A_983 = vector.broadcast %get3A_982 : vector<1x512xf32> to vector<256x512xf32>
    %add3A_984 = arith.addf %add3A_979, %add3A_983 : vector<256x512xf32>
    %max3A_985 = arith.constant 0.000000e+00 : f32
    %max3A_986 = vector.broadcast %max3A_985 : f32 to vector<256x512xf32>
    %max3A_987 = arith.maximumf %add3A_984, %max3A_986 : vector<256x512xf32>
    %get3A_988 = arith.constant 0 : index
    %get3A_989 = arith.constant 0 : index
    %get3A_990 = vector.load %arg12[%get3A_988, %get3A_989] : memref<512x256xf32, #tpu.memory_space<vmem>>, vector<512x256xf32>
    %dot_general3A_991 = arith.constant dense<0.000000e+00> : vector<256x256xf32>
    %dot_general3A_992 = tpu.matmul %max3A_987, %get3A_990, %dot_general3A_991 {dimension_numbers = #tpu.dot_dimension_numbers<[1], [0], [0], [1], [0, 0, 1, 1], [], []>, transpose_lhs_hint = false} : vector<256x512xf32>, vector<512x256xf32>, vector<256x256xf32> -> vector<256x256xf32>
    %get3A_993 = arith.constant 0 : index
    %get3A_994 = arith.constant 0 : index
    %get3A_995 = vector.load %arg13[%get3A_993, %get3A_994] : memref<1x256xf32, #tpu.memory_space<vmem>>, vector<1x256xf32>
    %add3A_996 = vector.broadcast %get3A_995 : vector<1x256xf32> to vector<256x256xf32>
    %add3A_997 = arith.addf %dot_general3A_992, %add3A_996 : vector<256x256xf32>
    %max3A_998 = arith.constant 0.000000e+00 : f32
    %max3A_999 = vector.broadcast %max3A_998 : f32 to vector<256x256xf32>
    %max3A_1000 = arith.maximumf %add3A_997, %max3A_999 : vector<256x256xf32>
    %get3A_1001 = arith.constant 0 : index
    %get3A_1002 = arith.constant 0 : index
    %get3A_1003 = vector.load %arg14[%get3A_1001, %get3A_1002] : memref<256x1xf32, #tpu.memory_space<vmem>>, vector<256x1xf32>
    %dot_general3A_1004 = arith.constant dense<0.000000e+00> : vector<256x1xf32>
    %dot_general3A_1005 = tpu.matmul %max3A_1000, %get3A_1003, %dot_general3A_1004 {dimension_numbers = #tpu.dot_dimension_numbers<[1], [0], [0], [1], [0, 0, 1, 1], [], []>, transpose_lhs_hint = false} : vector<256x256xf32>, vector<256x1xf32>, vector<256x1xf32> -> vector<256x1xf32>
    %get3A_1006 = arith.constant 0 : index
    %get3A_1007 = arith.constant 0 : index
    %get3A_1008 = vector.load %arg15[%get3A_1006, %get3A_1007] : memref<1x1xf32, #tpu.memory_space<vmem>>, vector<1x1xf32>
    %add3A_1009 = vector.broadcast %get3A_1008 : vector<1x1xf32> to vector<256x1xf32>
    %add3A_1010 = arith.addf %dot_general3A_1005, %add3A_1009 : vector<256x1xf32>
    %logistic3A = arith.negf %add3A_1010 : vector<256x1xf32>
    %logistic3A_1011 = math.exp %logistic3A : vector<256x1xf32>
    %logistic3A_1012 = arith.constant 1.000000e+00 : f32
    %logistic3A_1013 = vector.broadcast %logistic3A_1012 : f32 to vector<256x1xf32>
    %logistic3A_1014 = arith.addf %logistic3A_1013, %logistic3A_1011 : vector<256x1xf32>
    %logistic3A_1015 = arith.divf %logistic3A_1013, %logistic3A_1014 : vector<256x1xf32>
    %swap3A_1016 = arith.constant 0 : index
    %swap3A_1017 = arith.constant 0 : index
    %swap3A_1018 = vector.load %arg16[%swap3A_1016, %swap3A_1017] : memref<256x1xf32, #tpu.memory_space<vmem>>, vector<256x1xf32>
    tpu.vector_store %arg16[%swap3A_1016, %swap3A_1017], %logistic3A_1015 {strides = array<i32>} : memref<256x1xf32, #tpu.memory_space<vmem>>, vector<256x1xf32>,
    return
  }
  func.func @transform_0(%arg0: i32) -> (i32, i32) {
    %c0_i32 = arith.constant 0 : i32
    %c0_i32_0 = arith.constant 0 : i32
    return %arg0, %c0_i32 : i32, i32
  }
  func.func @transform_1(%arg0: i32) -> (i32, i32, i32) {
    %c0_i32 = arith.constant 0 : i32
    %c0_i32_0 = arith.constant 0 : i32
    %c0_i32_1 = arith.constant 0 : i32
    return %c0_i32, %arg0, %c0_i32_0 : i32, i32, i32
  }
  func.func @transform_2(%arg0: i32) -> (i32, i32) {
    %c0_i32 = arith.constant 0 : i32
    %c0_i32_0 = arith.constant 0 : i32
    %c0_i32_1 = arith.constant 0 : i32
    return %c0_i32, %c0_i32_0 : i32, i32
  }
  func.func @transform_3(%arg0: i32) -> (i32, i32) {
    %c0_i32 = arith.constant 0 : i32
    %c0_i32_0 = arith.constant 0 : i32
    %c0_i32_1 = arith.constant 0 : i32
    return %c0_i32, %c0_i32_0 : i32, i32
  }
  func.func @transform_4(%arg0: i32) -> (i32, i32) {
    %c0_i32 = arith.constant 0 : i32
    %c0_i32_0 = arith.constant 0 : i32
    %c0_i32_1 = arith.constant 0 : i32
    return %c0_i32, %c0_i32_0 : i32, i32
  }
  func.func @transform_5(%arg0: i32) -> (i32, i32) {
    %c0_i32 = arith.constant 0 : i32
    %c0_i32_0 = arith.constant 0 : i32
    %c0_i32_1 = arith.constant 0 : i32
    return %c0_i32, %c0_i32_0 : i32, i32
  }
  func.func @transform_6(%arg0: i32) -> (i32, i32) {
    %c0_i32 = arith.constant 0 : i32
    %c0_i32_0 = arith.constant 0 : i32
    %c0_i32_1 = arith.constant 0 : i32
    return %c0_i32, %c0_i32_0 : i32, i32
  }
  func.func @transform_7(%arg0: i32) -> (i32, i32) {
    %c0_i32 = arith.constant 0 : i32
    %c0_i32_0 = arith.constant 0 : i32
    %c0_i32_1 = arith.constant 0 : i32
    return %c0_i32, %c0_i32_0 : i32, i32
  }
  func.func @transform_8(%arg0: i32) -> (i32, i32) {
    %c0_i32 = arith.constant 0 : i32
    %c0_i32_0 = arith.constant 0 : i32
    %c0_i32_1 = arith.constant 0 : i32
    return %c0_i32, %c0_i32_0 : i32, i32
  }
  func.func @transform_9(%arg0: i32) -> (i32, i32) {
    %c0_i32 = arith.constant 0 : i32
    %c0_i32_0 = arith.constant 0 : i32
    %c0_i32_1 = arith.constant 0 : i32
    return %c0_i32, %c0_i32_0 : i32, i32
  }
  func.func @transform_10(%arg0: i32) -> (i32, i32) {
    %c0_i32 = arith.constant 0 : i32
    %c0_i32_0 = arith.constant 0 : i32
    %c0_i32_1 = arith.constant 0 : i32
    return %c0_i32, %c0_i32_0 : i32, i32
  }
  func.func @transform_11(%arg0: i32) -> (i32, i32) {
    %c0_i32 = arith.constant 0 : i32
    %c0_i32_0 = arith.constant 0 : i32
    %c0_i32_1 = arith.constant 0 : i32
    return %c0_i32, %c0_i32_0 : i32, i32
  }
  func.func @transform_12(%arg0: i32) -> (i32, i32) {
    %c0_i32 = arith.constant 0 : i32
    %c0_i32_0 = arith.constant 0 : i32
    %c0_i32_1 = arith.constant 0 : i32
    return %c0_i32, %c0_i32_0 : i32, i32
  }
  func.func @transform_13(%arg0: i32) -> (i32, i32) {
    %c0_i32 = arith.constant 0 : i32
    %c0_i32_0 = arith.constant 0 : i32
    %c0_i32_1 = arith.constant 0 : i32
    return %c0_i32, %c0_i32_0 : i32, i32
  }
  func.func @transform_14(%arg0: i32) -> (i32, i32) {
    %c0_i32 = arith.constant 0 : i32
    %c0_i32_0 = arith.constant 0 : i32
    %c0_i32_1 = arith.constant 0 : i32
    return %c0_i32, %c0_i32_0 : i32, i32
  }
  func.func @transform_15(%arg0: i32) -> (i32, i32) {
    %c0_i32 = arith.constant 0 : i32
    %c0_i32_0 = arith.constant 0 : i32
    return %arg0, %c0_i32 : i32, i32
  }
}

</mosaic_0001>

<sc_bundles>
// kernel: gather_offload_async_start
scs
__scs_entry_jumppad:
0x0: {  	(pc) =	sbr.rel $0x88, $3  }
0x1: {  	(tag) =	ssettag $0x0;
	lr =	simm.s32 $0x1  }
0x2: {  	[smem:$0x3F92] =	sst lr;
	_ =	strace $0xD0000000  }
0x3: {  	_ = 	snop  }
0x4: {  	_ = 	snop  }
0x5: {  	_ = 	snop  }
0x6: {  	_ = 	snop  }
0x7: {  	_ = 	snop  }
__scs_overlays_trampoline_lowered:
0x8: {  	[smem:$0x3FA1] =	sst s0  }
0x9: {  	[smem:$0x3FA2] =	sst s1  }
0xa: {  	[smem:$0x3FA3] =	sst s2  }
0xb: {  	[smem:$0x3FA4] =	sst s3  }
0xc: {  	[smem:$0x3FA5] =	sst s4  }
0xd: {  	[smem:$0x3FA6] =	sst s5  }
0xe: {  	[smem:$0x3FA7] =	sst s6  }
0xf: {  	[smem:$0x3FA8] =	sst s7  }
0x10: {  	[smem:$0x3FA9] =	sst s8  }
0x11: {  	[smem:$0x3FAA] =	sst s9;
	s0 =	simm.s32 @!p0 $0x0  }
0x12: {  	s1 =	sld [smem:$0x3F90];
	s0 =	simm.s32 @p0 $0x1  }
0x13: {  	[smem:$0x3FAB] =	sst s0;
	s0 =	simm.s32 @!p1 $0x0  }
0x14: {  	s2 =	sld [smem:$0x3F8F];
	s0 =	simm.s32 @p1 $0x1  }
0x15: {  	[smem:$0x3FAC] =	sst s0;
	s0 =	simm.s32 @!p2 $0x0  }
0x16: {  	s3 =	sld [smem:$0x3FDB];
	s0 =	simm.s32 @p2 $0x1  }
0x17: {  	s4 =	simm.s32 $0x1BF5;
	[smem:$0x3FAE] =	sst s0  }
0x18: {  	s0 =	sld [smem:$0x3F91];
	_ =	swait.ge [sflag:s4], $0x0  }
0x19: {  	s7 =	sld [smem:$0x3F92]  }
0x1a: {  	s8 =	sadd.s32 $0xFFFFE003, lr  }
0x1b: {  	s9 =	sadd.s32 $0xFFFFFEF7, lr;
	s5 =	simm.s32 $0xFFFFFFFF;
	p2 =	slt.u32 s8, $0xFFFFF086  }
0x1c: {  	p1 =	slt.u32 s9, $0xF7A;
	s5 =	simm.s32 @!p2 $0x0  }
0x1d: {  	s5 =	simm.s32 @p1 $0x1;
	p0 =	seq.s32 s7, s2  }
0x1e: {  	s7 =	smul.u32 @!p0 $0xF7A, s2;
	p2 =	seq.s32 @!p0 s5, $0x0  }
0x1f: {  	s9 =	smul.u32 $0xF7A, s1;
	s8 =	simm.s32 @!p0 $0x1BF5;
	p2 =	por !p2, p0  }
0x20: {  	[sflag:s8] =	ssyncset.s32 @!p0 $0xFFFFF086;
	s6 =	sadd.s32 @!p0 s3, s7;
	s7 =	simm.s32 @!p0 $0x108  }
0x21: {  	s3 =	sadd.s32 s3, s9;
	s6 =	sadd.s32 @!p0 $0x88, s6;
	s7 =	simm.s32 @p2 $0x1082  }
0x22: {  	[simem:s7], [sflag:s8] =	dma.local @!p0 [hbm:s6], $0xF7A  }
0x23: {  	s9 =	sor.u32 $0xD0000000, s2;
	s6 =	simm.s32 $0x108;
	_ =	swait.ge @!p0 [sflag:s8], $0x0  }
0x24: {  	s3 =	sadd.s32 $0x88, s3;
	s6 =	simm.s32 @!p1 $0x1082;
	[sflag:s4] =	ssyncset.s32 $0xFFFFF086  }
0x25: {  	[simem:s6], [sflag:s4] =	dma.local [hbm:s3], $0xF7A  }
0x26: {  	[smem:$0x3F92] =	sst s1;
	(tag) =	ssettag s2;
	_ =	strace s9  }
0x27: {  	s1 =	sld [smem:$0x3FA2]  }
0x28: {  	s2 =	sld [smem:$0x3FA3]  }
0x29: {  	s4 =	sld [smem:$0x3FA5]  }
0x2a: {  	p0 =	seq.s32 s5, $0x0;
	s5 =	sld [smem:$0x3FA6]  }
0x2b: {  	s6 =	sld [smem:$0x3FA7]  }
0x2c: {  	s7 =	sld [smem:$0x3FA8]  }
0x2d: {  	s3 =	simm.s32 $0x108;
	s8 =	sld [smem:$0x3FA9]  }
0x2e: {  	s3 =	simm.s32 @!p0 $0x1082;
	s9 =	sld [smem:$0x3FAA]  }
0x2f: {  	lr =	sadd.s32 s0, s3;
	s0 =	sld [smem:$0x3FA1]  }
0x30: {  	s3 =	sld [smem:$0x3FA4]  }
0x31: {  	[smem:$0x3FAD] =	sst s10  }
0x32: {  	s10 =	sld [smem:$0x3FAB];
	_ =	sdelay $0x3  }
0x33: {  	p0 =	seq.s32 s10, $0x1;
	s10 =	sld [smem:$0x3FAD];
	_ =	sdelay $0x3  }
0x34: {  	[smem:$0x3FAD] =	sst s10  }
0x35: {  	s10 =	sld [smem:$0x3FAC];
	_ =	sdelay $0x3  }
0x36: {  	p1 =	seq.s32 s10, $0x1;
	s10 =	sld [smem:$0x3FAD];
	_ =	sdelay $0x3  }
0x37: {  	[smem:$0x3FAD] =	sst s10  }
0x38: {  	s10 =	sld [smem:$0x3FAE]  }
0x39: {  	_ = 	snop;
	(pc) =	sbr.ind lr, $3  }
0x3a: {  	_ = 	snop  }
0x3b: {  	_ = 	snop  }
0x3c: {  	p2 =	seq.s32 s10, $0x1;
	s10 =	sld [smem:$0x3FAD]  }
0x3d: {  	_ =	shalt  }
0x3e: {  	_ =	shalt  }
0x3f: {  	_ =	shalt  }
0x40: {  	_ =	shalt  }
0x41: {  	_ =	shalt  }
0x42: {  	_ =	shalt  }
0x43: {  	_ =	shalt  }
0x44: {  	_ =	shalt  }
0x45: {  	_ =	shalt  }
0x46: {  	_ =	shalt  }
0x47: {  	_ =	shalt  }
0x48: {  	_ =	shalt  }
0x49: {  	_ =	shalt  }
0x4a: {  	_ =	shalt  }
0x4b: {  	_ =	shalt  }
0x4c: {  	_ =	shalt  }
0x4d: {  	_ =	shalt  }
0x4e: {  	_ =	shalt  }
0x4f: {  	_ =	shalt  }
0x50: {  	_ =	shalt  }
0x51: {  	_ =	shalt  }
0x52: {  	_ =	shalt  }
0x53: {  	_ =	shalt  }
0x54: {  	_ =	shalt  }
0x55: {  	_ =	shalt  }
0x56: {  	_ =	shalt  }
0x57: {  	_ =	shalt  }
0x58: {  	_ =	shalt  }
0x59: {  	_ =	shalt  }
0x5a: {  	_ =	shalt  }
0x5b: {  	_ =	shalt  }
0x5c: {  	_ =	shalt  }
0x5d: {  	_ =	shalt  }
0x5e: {  	_ =	shalt  }
0x5f: {  	_ =	shalt  }
0x60: {  	_ =	shalt  }
0x61: {  	_ =	shalt  }
0x62: {  	_ =	shalt  }
0x63: {  	_ =	shalt  }
0x64: {  	_ =	shalt  }
0x65: {  	_ =	shalt  }
0x66: {  	_ =	shalt  }
0x67: {  	_ =	shalt  }
0x68: {  	_ =	shalt  }
0x69: {  	_ =	shalt  }
0x6a: {  	_ =	shalt  }
0x6b: {  	_ =	shalt  }
0x6c: {  	_ =	shalt  }
0x6d: {  	_ =	shalt  }
0x6e: {  	_ =	shalt  }
0x6f: {  	_ =	shalt  }
0x70: {  	_ =	shalt  }
0x71: {  	_ =	shalt  }
0x72: {  	_ =	shalt  }
0x73: {  	_ =	shalt  }
0x74: {  	_ =	shalt  }
0x75: {  	_ =	shalt  }
0x76: {  	_ =	shalt  }
0x77: {  	_ =	shalt  }
0x78: {  	_ =	shalt  }
0x79: {  	_ =	shalt  }
0x7a: {  	_ =	shalt  }
0x7b: {  	_ =	shalt  }
0x7c: {  	_ =	shalt  }
0x7d: {  	_ =	shalt  }
0x7e: {  	_ =	shalt  }
0x7f: {  	_ =	shalt  }
0x80: {  	_ =	shalt  }
0x81: {  	_ =	shalt  }
0x82: {  	_ =	shalt  }
0x83: {  	_ =	shalt  }
0x84: {  	_ =	shalt  }
0x85: {  	_ =	shalt  }
0x86: {  	_ =	shalt  }
0x87: {  	_ =	shalt  }
.Lfunc_end0:
.L_simem_size_0:
called_computation_lowered:
.L_overlay_start_0:
0x88: {  	s2 =	sld [smem:$0x3FD9]  }
0x89: {  	s3 =	sld [smem:$0x3FFE];
	_ =	sdelay $0x1  }
0x8a: {  	s1 =	srdreg.scid  }
0x8b: {  	s0 =	sand.u32 $0x1, s1  }
0x8c: {  	s16 =	sshll.u32 s0, $0xA;
	s2 =	sadd.s32 s3, s2  }
0x8d: {  	s2 =	sadd.s32 s2, s16  }
0x8e: {  	[smem:$0x3FB9] =	sst s2  }
0x8f: {  	_ = 	snop  }
0x90: {  	(tm) =	ssettm $0x1  }
0x91: {  	s17 =	sld [smem:$0x3FFB];
	_ =	sdelay $0x3  }
0x92: {  	_ =	strace s17  }
0x93: {  	s2 =	sld [smem:$0x3FFC];
	_ =	sdelay $0x3  }
0x94: {  	_ =	strace s2  }
0x95: {  	s2 =	sld [smem:$0x3FFD];
	_ =	sdelay $0x3  }
0x96: {  	_ =	strace s2  }
0x97: {  	_ =	strace $0x8FFFFFFF  }
0x98: {  	s18 =	sld [smem:$0x3FDB];
	_ =	sdelay $0x1  }
0x99: {  	s19 =	simm.s32 $_scs_section_size  }
0x9a: {  	s4 =	simm.s32 $_size__tile_overlayer_lowered;
	s5 =	simm.s32 $_tile_overlayer_lowered  }
0x9b: {  	s22 =	simm.s32 $0x1BFF;
	s21 =	sshll.u32 s5, $0x1;
	s2 =	sadd.s32 s19, s18  }
0x9c: {  	s6 =	simm.s32 $0x0;
	s20 =	sshll.u32 s4, $0x1;
	s4 =	sadd.s32 s21, s2  }
0x9d: {  	[timem:s6], [sflag:s22] =	dma.local [hbm:s4], s20  }
0x9e: {  	_ =	swait.ge [sflag:s22], s20  }
0x9f: {  	s3 =	ssub.s32 $0x0, s20;
	[sflag:s22] =	ssyncset.done $0x0  }
0xa0: {  	[sflag:s22] =	ssyncadd.s32 s3;
	_ =	sdelay $0x1  }
0xa1: {  	s23 =	simm.s32 $0x1B8B  }
0xa2: {  	_ =	swait.ge [sflag:s23], $0x1  }
0xa3: {  	[sflag:s23] =	ssyncset.done $0x0  }
0xa4: {  	s25 =	simm.s32 $0x1B8E;
	s24 =	sld [smem:$0x3FFE];
	[sflag:s23] =	ssyncadd.s32 $0xFFFFFFFF  }
0xa5: {  	s26 =	simm.s32 $execute0_lowered;
	[smem:$0x3FD2] =	sst s25  }
0xa6: {  	s4 =	sshll.u32 s26, $0x1;
	_ =	strace $0x80000046;
	[dreg:$0x1] =	wrdreg $0xFFFFFFFF  }
0xa7: {  	s28 =	simm.s32 $_size_execute0_lowered;
	s2 =	sadd.s32 s2, s4;
	[dreg:$0x0] =	wrdreg $0x0  }
0xa8: {  	s4 =	sshll.u32 s28, $0x1;
	[dreg:$0x2] =	wrdreg s2  }
0xa9: {  	[dreg:$0x3] =	wrdreg s4  }
0xaa: {  	[dreg:$0x4] =	wrdreg $0xC0  }
0xab: {  	_ =	task [dreg:s6], $0x5FFFF  }
0xac: {  	[dreg:$0x1] =	wrdreg $0xFFFFFFFF  }
0xad: {  	[dreg:$0x0] =	wrdreg $0x60  }
0xae: {  	[dreg:$0x2] =	wrdreg s24  }
0xaf: {  	[dreg:$0x3] =	wrdreg $0x9  }
0xb0: {  	_ =	task.clear_ibuf [dreg:s6], $0x4FFFF;
	_ =	strace $0x90000046  }
0xb1: {  	s29 =	simm.s32 $0x9;
	_ =	strace $0x80000048  }
0xb2: {  	_ =	swait.ge [sflag:s29], $0x1  }
0xb3: {  	[sflag:s29] =	ssyncadd.s32 $0xFFFFFFFF  }
0xb4: {  	_ =	strace $0x90000048  }
0xb5: {  	_ =	sfence  }
0xb6: {  	s30 =	sld [smem:$0x0];
	_ =	sdelay $0x2  }
0xb7: {  	s31 =	sshll.u32 s1, $0xD;
	s1 =	sshrl.u32 s1, $0x2  }
0xb8: {  	s3 =	sand.u32 $0x4000, s31;
	s1 =	sadd.s32 s1, s30  }
0xb9: {  	s0 =	sor.u32 s3, s0;
	s1 =	sshll.u32 s1, $0x11  }
0xba: {  	s0 =	sor.u32 s1, s0  }
0xbb: {  	s0 =	sadd.s32 $0x8F2B, s0  }
0xbc: {  	[sflag:s0] =	ssyncadd.remote.s32 $0x1  }
0xbd: {  	_ =	sfence.sel $0xFFFF  }
0xbe: {  	[dreg:$0x0] =	wrdreg $0xFFFFFFFF;
	(pc) =	sbr.abs _section_cstart, $3  }
0xbf: {  	[dreg:$0x1] =	wrdreg $0xFFFFFFFF  }
0xc0: {  	_ =	task.clear_ibuf [dreg:s6], $0x2FFFF;
	_ =	strace $0x9FFFFFFF  }
0xc1: {  	(tm) =	ssettm $0x7FFFFFFF  }
tec
execute0_lowered:
.L_overlay_start_1:
0x0: {  	(tag) =	ssettag $0x1  }
0x1: {  	s7 =	rddreg [dreg:$0x0]  }
0x2: {  	s1 =	srdreg.scid;
	s0 =	rddreg [dreg:$0x1]  }
0x3: {  	_ =	strace $0x80000047;
	s3 =	simm.s32 $0x1;
	s5 =	simm.s32 $0x2  }
0x4: {  	s9 =	simm.s32 $0x3;
	s11 =	simm.s32 $0x0;
	s2 =	sshll.u32 s1, $0x4  }
.Ltmp0:
0x5: {  	s1 =	stileid.u32;
	s4 =	sand.u32 $0x10, s2;
	(pc) =	sbr.rel .LBB2_1-.Ltmp0, $4  }
0x6: {  	p0 =	por $0x0, $0x0;
	[sflag:s3] =	ssyncpa.u1 $0x0;
	s4 =	sor.u32 s1, s4  }
0x7: {  	s6 =	sadd.s32 $0x27AE400, s7;
	[sflag:s5] =	ssyncpa.u1 $0x0;
	s4 =	smul.u32 $0xD00, s4  }
0x8: {  	s2 =	sadd.s32 $0x2000, s7;
	s7 =	sadd.s32 $0x27B1800, s7;
	[sflag:s9] =	ssyncpa.u1 $0x0  }
0x9: {  	vm0 =	vmmov $0xff;
	vm1 =	vcmask $0x3F20;
	s9 =	simm.s32 $0x0;
	s8 =	sadd.s32 $0xD00, s4;
	s10 =	smov.u32 s4  }
.LBB2_6:
0xa: {  	[hbm:s15] =	stream.linear.scatter [tilespmem:s12], [sflag:$0x3], $0x400, $0x38;
	[tilespmem:$0x1A340] =	vst v63  }
.LBB2_7:
0xb: {  	p1 =	slt.u32 s9, $0x2;
	s11 =	sadd.s32 $0x1A0, s10  }
0xc: {  	s13 =	smov.u32 s4;
	s9 =	sadd.s32 $0x1, s9;
	p2 =	slt.s32 s11, s8  }
0xd: {  	s13 =	smov.u32 @p2 s11;
	p2 =	sne.s32 s9, $0xA  }
.Ltmp1:
0xe: {  	_ = 	snop;
	(pc) =	sbr.rel @!p2 .LBB2_8-.Ltmp1, $4  }
0xf: {  	s12 =	simm.s32 @!p1 $0x3  }
0x10: {  	_ =	swait.ge @!p1 [sflag:s12], $0xD000  }
0x11: {  	p0 =	por !p0, !p0;
	[sflag:s12] =	ssyncset.done @!p1 $0x0  }
0x12: {  	s11 =	smov.u32 s10;
	s10 =	smov.u32 s13;
	[sflag:s12] =	ssyncadd.s32 @!p1 $0xFFFF3000  }
.LBB2_1:
0x13: {  	p1 =	sgt.u32 s9, $0x7  }
0x14: {  	s12 =	sxor.u32 @!p1 $0xFFFFFFFF, s9  }
0x15: {  	s12 =	sand.u32 @!p1 $0x1, s12  }
0x16: {  	s12 =	smul.u32 @!p1 $0x680, s12  }
0x17: {  	s31 =	sadd.s32 $0xFFFFFFFF, s9;
	s13 =	sshrl.u32 @!p1 s10, $0x3  }
0x18: {  	s14 =	sand.u32 @!p1 $0x7, s10;
	s13 =	sadd.s32 @!p1 s6, s13;
	s12 =	sshrl.u32 @!p1 s12, $0x2  }
0x19: {  	[tilespmem:s12], [sflag:$0x2] =	stream.linear.gather @!p1 [hbm4b:s13+s14], $0x1A0, $0x38;
	[tilespmem:$0x1A340] =	vst v63  }
0x1a: {  	p1 =	sgt.u32 s31, $0x7  }
.Ltmp2:
0x1b: {  	_ = 	snop;
	(pc) =	sbr.rel @p1 .LBB2_7-.Ltmp2, $1  }
0x1c: {  	_ =	sdelay $0x3  }
0x1d: {  	s12 =	simm.s32 $0x1  }
0x1e: {  	s12 =	simm.s32 @!p0 $0x0  }
0x1f: {  	s13 =	smul.u32 $0x680, s12  }
0x20: {  	_ =	swait.ge [sflag:s5], $0x1A0  }
0x21: {  	[sflag:s5] =	ssyncset.done $0x0;
	s14 =	sshrl.u32 s13, $0x2  }
0x22: {  	[sflag:s5] =	ssyncadd.s32 $0xFFFFFE60;
	s13 =	sadd.s32 $0x0, s14  }
0x23: {  	v0 =	vld.msk [tilespmem:s13+$0x0 ss:$0x1], $0xffff;
	_ =	sdelay $0x4  }
0x24: {  	v1 =	vand.u32 $0x1F, v0;
	v2 =	vshll.u32 v0, $0x2  }
0x25: {  	vm2 =	veq.s32 v0, $0x80000000;
	v0 =	vmul.u32 $0xC35000, v1;
	v1 =	vand.u32 $0xFFFF80, v2  }
0x26: {  	v1 =	vsel vm2, $0xFFFFFF80, v1  }
0x27: {  	v0 =	vsel vm2, $0xFF3CB000, v0;
	v2 =	vand.u32 $0xFFFFFC00, v1  }
0x28: {  	v1 =	vand.u32 $0x380, v1;
	v0 =	vadd.s32 v0, v2  }
0x29: {  	v0 =	vor.u32 v1, v0  }
0x2a: {  	v0 =	vshrl.u32 v0, $0x3  }
0x2b: {  	s12 =	smul.u32 $0x34000, s12;
	_ =	sdelay $0x1  }
0x2c: {  	s12 =	sshrl.u32 s12, $0x2  }
0x2d: {  	s12 =	sor.u32 $0x340, s12  }
0x2e: {  	[tilespmem:s12], [sflag:$0x1] =	stream.indirect_vreg.gather [hbm:s2], $0x80, v0, vm0, $0x38;
	[tilespmem:$0x1A340] =	vst v63  }
0x2f: {  	s15 =	sadd.s32 $0x10, s14;
	s13 =	sadd.s32 $0x400, s12  }
0x30: {  	[tilespmem:s13], [sflag:$0x1] =	stream.indirect_vreg.gather [hbm:s2], $0x80, v0, vm1, $0x38;
	[tilespmem:$0x1A340] =	vst v63  }
0x31: {  	s16 =	simm.s32 $0x80;
	v0 =	vld.msk [tilespmem:s15+$0x0 ss:$0x1], $0xffff;
	s15 =	smov.u32 s12  }
.LBB2_3:
0x32: {  	p1 =	sne.s32 s16, $0x640;
	_ =	sdelay $0x4  }
0x33: {  	v1 =	vand.u32 $0x1F, v0;
	v2 =	vshll.u32 v0, $0x2  }
0x34: {  	vm2 =	veq.s32 v0, $0x80000000;
	v0 =	vmul.u32 $0xC35000, v1;
	v1 =	vand.u32 $0xFFFF80, v2  }
0x35: {  	v1 =	vsel vm2, $0xFFFFFF80, v1  }
0x36: {  	v0 =	vsel vm2, $0xFF3CB000, v0;
	v2 =	vand.u32 $0xFFFFFC00, v1  }
0x37: {  	v1 =	vand.u32 $0x380, v1;
	v0 =	vadd.s32 v0, v2  }
0x38: {  	v0 =	vor.u32 v1, v0  }
0x39: {  	v0 =	vshrl.u32 v0, $0x3;
	_ =	sdelay $0x3  }
.Ltmp3:
0x3a: {  	s17 =	sshra.s32 s16, $0x2;
	s15 =	sadd.s32 $0x800, s15;
	(pc) =	sbr.rel @p1 .LBB2_3-.Ltmp3, $4  }
0x3b: {  	[tilespmem:s15], [sflag:$0x1] =	stream.indirect_vreg.gather [hbm:s2], $0x80, v0, vm0, $0x38;
	[tilespmem:$0x1A340] =	vst v63  }
0x3c: {  	s17 =	sadd.s32 s17, s14;
	s18 =	sadd.s32 $0x400, s15  }
0x3d: {  	[tilespmem:s18], [sflag:$0x1] =	stream.indirect_vreg.gather [hbm:s2], $0x80, v0, vm1, $0x38;
	[tilespmem:$0x1A340] =	vst v63  }
0x3e: {  	s16 =	sadd.s32 $0x40, s16;
	v0 =	vld.msk [tilespmem:s17+$0x0 ss:$0x1], $0xffff  }
0x3f: {  	_ =	sdelay $0x3  }
0x40: {  	v1 =	vand.u32 $0x1F, v0;
	v2 =	vshll.u32 v0, $0x2  }
0x41: {  	vm2 =	veq.s32 v0, $0x80000000;
	v61 =	vmul.u32 $0xC35000, v1;
	v62 =	vand.u32 $0xFFFF80, v2  }
0x42: {  	v1 =	vsel vm2, $0xFFFFFF80, v62  }
0x43: {  	v0 =	vsel vm2, $0xFF3CB000, v61;
	v63 =	vand.u32 $0xFFFFFC00, v1  }
0x44: {  	v1 =	vand.u32 $0x380, v1;
	v0 =	vadd.s32 v0, v63  }
0x45: {  	v0 =	vor.u32 v1, v0  }
0x46: {  	v0 =	vshrl.u32 v0, $0x3;
	_ =	sdelay $0x3  }
0x47: {  	s14 =	sadd.s32 $0x800, s15  }
0x48: {  	[tilespmem:s14], [sflag:$0x1] =	stream.indirect_vreg.gather [hbm:s2], $0x80, v0, vm0, $0x38;
	[tilespmem:$0x1A340] =	vst v63  }
0x49: {  	s14 =	sadd.s32 $0x400, s14  }
0x4a: {  	[tilespmem:s14], [sflag:$0x1] =	stream.indirect_vreg.gather [hbm:s2], $0x80, v0, vm1, $0x38;
	[tilespmem:$0x1A340] =	vst v63  }
0x4b: {  	s11 =	sshll.u32 s11, $0x4;
	_ =	swait.ge [sflag:s3], $0xD000  }
0x4c: {  	s11 =	sadd.s32 s11, s7;
	[sflag:s3] =	ssyncset.done $0x0  }
0x4d: {  	s15 =	sadd.s32 $0x0, s11;
	s14 =	simm.s32 $0x80;
	[sflag:s3] =	ssyncadd.s32 $0xFFFF3000  }
.LBB2_5:
0x4e: {  	[hbm:s15] =	stream.linear.scatter [tilespmem:s12], [sflag:$0x3], $0x400, $0x38;
	[tilespmem:$0x1A340] =	vst v63  }
0x4f: {  	s15 =	smov.u32 s14;
	s12 =	smov.u32 s13;
	p1 =	sne.s32 s14, $0x1980  }
.Ltmp4:
0x50: {  	s14 =	sadd.s32 $0x80, s14;
	(pc) =	sbr.rel @p1 .LBB2_5-.Ltmp4, $2  }
0x51: {  	_ =	sdelay $0x2  }
0x52: {  	s13 =	sadd.s32 $0x400, s13;
	s15 =	sadd.s32 s15, s11  }
.Ltmp5:
0x53: {  	_ = 	snop;
	(pc) =	sbr.rel .LBB2_6-.Ltmp5, $1  }
0x54: {  	_ =	sdelay $0x3  }
.LBB2_8:
0x55: {  	_ =	sfence.sel $0x180000  }
0x56: {  	s2 =	simm.s32 $0x2;
	[bflag:$0x0] =	sbarrier.arrive $0xFFFF  }
0x57: {  	s30 =	simm.s32 $0x3;
	[sflag:s2] =	ssyncpa.u1 $0x1  }
0x58: {  	s31 =	simm.s32 $0x1;
	[sflag:s30] =	ssyncpa.u1 $0x1  }
0x59: {  	[sflag:s31] =	ssyncpa.u1 $0x1  }
0x5a: {  	p0 =	sne.s32 s1, $0x0;
	_ =	strace $0x90000047  }
0x5b: {  	s0 =	sadd.s32 @!p0 $0x100000, s0;
	[bflag:$0x2] =	sbarrier.arrive $0xFFFF  }
0x5c: {  	[sflag:s0] =	ssyncadd.tile.s32 @!p0 $0x1;
	_ =	shalt  }
.Lfunc_end2:
_tile_overlayer_lowered:
.L_overlay_start_2:
0x5d: {  	(tag) =	ssettag $0x2  }
0x5e: {  	s0 =	rddreg [dreg:$0x0];
	s2 =	stileid.u32  }
0x5f: {  	s1 =	rddreg [dreg:$0x1];
	p0 =	sne.s32 s2, $0x0  }
0x60: {  	s3 =	rddreg [dreg:$0x2];
	[bflag:$0x3] =	sbarrier.arrive $0xFFFF;
	s2 =	simm.s32 @!p0 $0x1C01  }
0x61: {  	[timem:s3], [sflag:s2] =	dma.local @!p0 [hbm:s0], s1  }
0x62: {  	s0 =	simm.s32 @!p0 $0x1  }
0x63: {  	_ =	swait.ge @!p0 [sflag:s0], s1  }
0x64: {  	s1 =	ssub.s32 @!p0 $0x0, s1;
	[sflag:s0] =	ssyncset.done @!p0 $0x0  }
0x65: {  	[sflag:s0] =	ssyncadd.s32 @!p0 s1  }
0x66: {  	[bflag:$0x3] =	sbarrier.arrive $0xFFFF  }
0x67: {  	_ =	shalt  }

</sc_bundles>
